<compile_context>
chip_gen: v7x
topology: tpu7x:2x2x1
jax: 0.10.2.dev20260603
libtpu: 0.0.44.dev20260713+nightly
codegen_flags: <defaults>
</compile_context>

<pallas_src>
import functools

import jax
import jax.numpy as jnp
from jax import lax
from jax.experimental import pallas as pl
from jax.experimental.pallas import tpu as pltpu
from jax.experimental.pallas import tpu_sc as plsc

N_CELL, N_TISSUE, D = 10000, 512, 128
NP = 10240
E_CELL, E_TISSUE = 320000, 4096
NC, NS = 2, 16
NW = NC * NS
CH = 120
NCHUNK = 86
EPW = NCHUNK * CH
EP = NW * EPW
RPT = NP // NS
PAD_ROW = NP - 1

_sc_mesh = plsc.VectorSubcoreMesh(core_axis_name="c", subcore_axis_name="s")


@functools.partial(
    pl.kernel,
    mesh=_sc_mesh,
    out_type=jax.ShapeDtypeStruct((NC, NP, D), jnp.float32),
    scratch_types=[
        pltpu.VMEM((CH,), jnp.int32),
        pltpu.VMEM((CH,), jnp.int32),
        pltpu.VMEM((CH,), jnp.int32),
        pltpu.VMEM((CH,), jnp.int32),
        pltpu.VMEM((CH, D), jnp.float32),
        pltpu.VMEM((CH, D), jnp.float32),
        pltpu.VMEM_SHARED((NP, D), jnp.float32),
        pltpu.SemaphoreType.DMA,
        pltpu.SemaphoreType.DMA,
        pltpu.SemaphoreType.DMA,
        pltpu.SemaphoreType.DMA,
    ],
)
def _segsum_cell(src_hbm, dst_hbm, h_hbm, zeros_hbm, out_hbm,
                 src_a, dst_a, src_b, dst_b, rows_a, rows_b, acc_sh,
                 sia, sib, sra, srb):
    c = lax.axis_index("c")
    s = lax.axis_index("s")
    wid = s * NC + c
    base = wid * EPW

    def idx_off(ck):
        return pl.multiple_of(base + ck * CH, 8)

    def idx_start(ck, sv, dv, sem):
        off = idx_off(ck)
        pltpu.async_copy(src_hbm.at[pl.ds(off, CH)], sv, sem)
        pltpu.async_copy(dst_hbm.at[pl.ds(off, CH)], dv, sem)

    def idx_wait(ck, sv, dv, sem):
        off = idx_off(ck)
        pltpu.make_async_copy(src_hbm.at[pl.ds(off, CH)], sv, sem).wait()
        pltpu.make_async_copy(dst_hbm.at[pl.ds(off, CH)], dv, sem).wait()

    idx_start(0, src_a, dst_a, sia)
    idx_start(1, src_b, dst_b, sib)
    pltpu.sync_copy(zeros_hbm, acc_sh.at[pl.ds(s * RPT, RPT)])
    plsc.subcore_barrier()

    idx_wait(0, src_a, dst_a, sia)
    pltpu.async_copy(h_hbm.at[src_a], rows_a, sra)

    def body(j, carry):
        ca = 2 * j
        cb = 2 * j + 1
        idx_wait(cb, src_b, dst_b, sib)
        pltpu.async_copy(h_hbm.at[src_b], rows_b, srb)
        pltpu.make_async_copy(h_hbm.at[src_a], rows_a, sra).wait()
        pltpu.sync_copy(rows_a, acc_sh.at[dst_a], add=True)
        na = jnp.minimum(ca + 2, NCHUNK - 1)
        idx_start(na, src_a, dst_a, sia)
        pltpu.make_async_copy(h_hbm.at[src_b], rows_b, srb).wait()
        pltpu.sync_copy(rows_b, acc_sh.at[dst_b], add=True)
        idx_start(jnp.minimum(cb + 2, NCHUNK - 1), src_b, dst_b, sib)
        idx_wait(na, src_a, dst_a, sia)
        pltpu.async_copy(h_hbm.at[src_a], rows_a, sra)
        return carry

    lax.fori_loop(0, NCHUNK // 2, body, 0)
    pltpu.make_async_copy(h_hbm.at[src_a], rows_a, sra).wait()
    idx_wait(NCHUNK - 1, src_b, dst_b, sib)
    plsc.subcore_barrier()
    pltpu.sync_copy(acc_sh.at[pl.ds(s * RPT, RPT)],
                    out_hbm.at[c, pl.ds(s * RPT, RPT)])


def _gin_body(h_ref, p_ref, w1_ref, b1_ref, w2_ref, b2_ref, o_ref):
    z = h_ref[...] + p_ref[0] + p_ref[1]
    u = jnp.maximum(
        jnp.dot(z, w1_ref[...], preferred_element_type=jnp.float32) + b1_ref[...], 0.0)
    o_ref[...] = jnp.maximum(
        jnp.dot(u, w2_ref[...], preferred_element_type=jnp.float32) + b2_ref[...], 0.0)


def _gin_tc(h, p, W1, b1, W2, b2):
    RB = 2048
    return pl.pallas_call(
        _gin_body,
        grid=(NP // RB,),
        in_specs=[
            pl.BlockSpec((RB, D), lambda i: (i, 0)),
            pl.BlockSpec((NC, RB, D), lambda i: (0, i, 0)),
            pl.BlockSpec((D, D), lambda i: (0, 0)),
            pl.BlockSpec((1, D), lambda i: (0, 0)),
            pl.BlockSpec((D, D), lambda i: (0, 0)),
            pl.BlockSpec((1, D), lambda i: (0, 0)),
        ],
        out_specs=pl.BlockSpec((RB, D), lambda i: (i, 0)),
        out_shape=jax.ShapeDtypeStruct((NP, D), jnp.float32),
    )(h, p, W1, b1.reshape(1, D), W2, b2.reshape(1, D))


EB = 1024


def _at_body(s_ref, d_ref, o_ref):
    i = pl.program_id(0)
    se = s_ref[0, 0, :]
    de = d_ref[0, 0, :]
    cols = lax.broadcasted_iota(jnp.int32, (EB, N_TISSUE), 1)
    ohs = (se[:, None] == cols).astype(jnp.float32)
    ohd = (de[:, None] == cols).astype(jnp.float32)
    prod = lax.dot_general(ohd, ohs, (((0,), (0,)), ((), ())),
                           preferred_element_type=jnp.float32)

    @pl.when(i == 0)
    def _():
        o_ref[...] = prod

    @pl.when(i != 0)
    def _():
        o_ref[...] += prod


def _build_at(src3, dst3):
    return pl.pallas_call(
        _at_body,
        grid=(E_TISSUE // EB,),
        in_specs=[
            pl.BlockSpec((1, 1, EB), lambda i: (i, 0, 0)),
            pl.BlockSpec((1, 1, EB), lambda i: (i, 0, 0)),
        ],
        out_specs=pl.BlockSpec((N_TISSUE, N_TISSUE), lambda i: (0, 0)),
        out_shape=jax.ShapeDtypeStruct((N_TISSUE, N_TISSUE), jnp.float32),
    )(src3, dst3)


RB2 = 1000
NG2 = N_CELL // RB2


def _tail_body(h1_ref, h2_ref, h3_ref, a_ref, xt_ref, at_ref,
               t1w1, t1b1, t1w2, t1b2, t2w1, t2b1, t2w2, t2b2,
               t3w1, t3b1, t3w2, t3b2, cw1, cb1, cw2, cb2,
               o_ref, zc_ref):
    i = pl.program_id(0)
    a = a_ref[0, 0, :]
    z = jnp.concatenate([h1_ref[...], h2_ref[...], h3_ref[...]], axis=1)
    cols = lax.broadcasted_iota(jnp.int32, (RB2, N_TISSUE), 1)
    oh = (a[:, None] == cols).astype(jnp.float32)
    part = lax.dot_general(oh, z, (((0,), (0,)), ((), ())),
                           preferred_element_type=jnp.float32)

    @pl.when(i == 0)
    def _():
        zc_ref[...] = part

    @pl.when(i != 0)
    def _():
        zc_ref[...] += part

    @pl.when(i == NG2 - 1)
    def _():
        ht = jnp.concatenate([zc_ref[...], xt_ref[...]], axis=1)
        A = at_ref[...]
        touts = []
        for (w1, b1, w2, b2) in ((t1w1, t1b1, t1w2, t1b2),
                                 (t2w1, t2b1, t2w2, t2b2),
                                 (t3w1, t3b1, t3w2, t3b2)):
            agg = jnp.dot(A, ht, preferred_element_type=jnp.float32)
            zt = ht + agg
            u = jnp.maximum(
                jnp.dot(zt, w1[...], preferred_element_type=jnp.float32) + b1[...], 0.0)
            ht = jnp.maximum(
                jnp.dot(u, w2[...], preferred_element_type=jnp.float32) + b2[...], 0.0)
            touts.append(ht)
        ztc = jnp.concatenate(touts, axis=1)
        g = jnp.sum(ztc, axis=0, keepdims=True) * (1.0 / N_TISSUE)
        hc = jnp.maximum(
            jnp.dot(g, cw1[...], preferred_element_type=jnp.float32) + cb1[...], 0.0)
        o_ref[...] = jnp.dot(hc, cw2[...], preferred_element_type=jnp.float32) + cb2[...]


def _tail(h1, h2, h3, asg3, x_tissue, At, tw, cls_W1, cls_b1, cls_W2p, cls_b2p):
    def full(shape):
        nzero = len(shape)
        return pl.BlockSpec(shape, lambda i, _n=nzero: (0,) * _n)

    in_specs = [
        pl.BlockSpec((RB2, D), lambda i: (i, 0)),
        pl.BlockSpec((RB2, D), lambda i: (i, 0)),
        pl.BlockSpec((RB2, D), lambda i: (i, 0)),
        pl.BlockSpec((1, 1, RB2), lambda i: (i, 0, 0)),
        full((N_TISSUE, D)),
        full((N_TISSUE, N_TISSUE)),
    ]
    args = [h1, h2, h3, asg3, x_tissue, At]
    for (W1, b1, W2, b2) in tw:
        in_specs += [full(W1.shape), full((1, D)), full(W2.shape), full((1, D))]
        args += [W1, b1.reshape(1, D), W2, b2.reshape(1, D)]
    in_specs += [full(cls_W1.shape), full((1, D)),
                 full(cls_W2p.shape), full((1, D))]
    args += [cls_W1, cls_b1.reshape(1, D), cls_W2p, cls_b2p]
    return pl.pallas_call(
        _tail_body,
        grid=(NG2,),
        in_specs=in_specs,
        out_specs=pl.BlockSpec((1, D), lambda i: (0, 0)),
        out_shape=jax.ShapeDtypeStruct((1, D), jnp.float32),
        scratch_shapes=[pltpu.VMEM((N_TISSUE, 3 * D), jnp.float32)],
    )(*args)


def kernel(x_cell, x_tissue, edge_index_cell, edge_index_tissue, assignment,
           x_cell_batch, x_tissue_batch,
           c1_W1, c1_b1, c1_W2, c1_b2, c2_W1, c2_b1, c2_W2, c2_b2,
           c3_W1, c3_b1, c3_W2, c3_b2,
           t1_W1, t1_b1, t1_W2, t1_b2, t2_W1, t2_b1, t2_W2, t2_b2,
           t3_W1, t3_b1, t3_W2, t3_b2,
           cls_W1, cls_b1, cls_W2, cls_b2):
    npad = EP - E_CELL
    pad_rows = N_CELL + (jnp.arange(npad, dtype=jnp.int32) % (NP - N_CELL))
    src_c = jnp.concatenate([edge_index_cell[0], pad_rows])
    dst_c = jnp.concatenate([edge_index_cell[1], pad_rows])
    zeros = jnp.zeros((RPT, D), jnp.float32)

    h = jnp.zeros((NP, D), jnp.float32).at[:N_CELL].set(x_cell)
    hs = []
    for (W1, b1, W2, b2) in ((c1_W1, c1_b1, c1_W2, c1_b2),
                             (c2_W1, c2_b1, c2_W2, c2_b2),
                             (c3_W1, c3_b1, c3_W2, c3_b2)):
        p = _segsum_cell(src_c, dst_c, h, zeros)
        h = _gin_tc(h, p, W1, b1, W2, b2)
        hs.append(h)

    At = _build_at(edge_index_tissue[0].reshape(E_TISSUE // EB, 1, EB),
                   edge_index_tissue[1].reshape(E_TISSUE // EB, 1, EB))

    cls_W2p = jnp.zeros((D, D), jnp.float32).at[:, :7].set(cls_W2)
    cls_b2p = jnp.zeros((1, D), jnp.float32).at[:, :7].set(cls_b2)

    out = _tail(hs[0], hs[1], hs[2], assignment.reshape(NG2, 1, RB2),
                x_tissue, At,
                ((t1_W1, t1_b1, t1_W2, t1_b2),
                 (t2_W1, t2_b1, t2_W2, t2_b2),
                 (t3_W1, t3_b1, t3_W2, t3_b2)),
                cls_W1, cls_b1, cls_W2p, cls_b2p)
    return out[:, :7]

# --- scband reference (transcript-rebuilt; emitter-appended) ---
"""Pipeline reference for scband-hactnet-4964982194682 (READ-ONLY COPY).

The authoritative reference and input builder live on the scoring server;
editing this copy changes nothing except your own understanding.
"""

import jax, jax.numpy as jnp
import numpy as np

def _glorot(key, fan_in, fan_out):
    lim = (6.0 / (fan_in + fan_out)) ** 0.5
    return jax.random.uniform(key, (fan_in, fan_out), jnp.float32, -lim, lim)

def setup_inputs(seed=0):
    key = jax.random.key(seed)
    ks = jax.random.split(key, 32)
    N_cell, N_tissue = 10000, 512
    E_cell, E_tissue = 320000, 4096
    d = 128
    inp = {}
    inp["x_cell"] = jax.random.normal(ks[0], (N_cell, d), jnp.float32)
    inp["x_tissue"] = jax.random.normal(ks[1], (N_tissue, d), jnp.float32)
    inp["edge_index_cell"] = jax.random.randint(ks[2], (2, E_cell), 0, N_cell, jnp.int32)
    inp["edge_index_tissue"] = jax.random.randint(ks[3], (2, E_tissue), 0, N_tissue, jnp.int32)
    inp["assignment"] = jax.random.randint(ks[4], (N_cell,), 0, N_tissue, jnp.int32)
    inp["x_cell_batch"] = jnp.zeros((N_cell,), jnp.int32)
    inp["x_tissue_batch"] = jnp.zeros((N_tissue,), jnp.int32)
    i = 5
    cell_dims = [(d, 128), (128, 128), (128, 128)]
    tis_dims = [(d + 128 * 3, 128), (128, 128), (128, 128)]
    for pre, dims in (("c", cell_dims), ("t", tis_dims)):
        for li, (din, dout) in enumerate(dims, 1):
            inp["%s%d_W1" % (pre, li)] = _glorot(ks[i], din, dout); i += 1
            inp["%s%d_b1" % (pre, li)] = jnp.zeros((dout,), jnp.float32)
            inp["%s%d_W2" % (pre, li)] = _glorot(ks[i], dout, dout); i += 1
            inp["%s%d_b2" % (pre, li)] = jnp.zeros((dout,), jnp.float32)
    inp["cls_W1"] = _glorot(ks[i], 128 * 3, 128); i += 1
    inp["cls_b1"] = jnp.zeros((128,), jnp.float32)
    inp["cls_W2"] = _glorot(ks[i], 128, 7); i += 1
    inp["cls_b2"] = jnp.zeros((7,), jnp.float32)
    return inp

def _gin(h, src, dst, W1, b1, W2, b2, n):
    agg = jax.ops.segment_sum(h[src], dst, num_segments=n)
    z = h + agg
    z = jnp.dot(z, W1) + b1
    z = jax.nn.relu(z)
    z = jnp.dot(z, W2) + b2
    return jax.nn.relu(z)

def _forward(d, eic, eit, assignment, tb):
    x_cell = d["x_cell"]; x_tissue = d["x_tissue"]
    Nc = x_cell.shape[0]; Nt = x_tissue.shape[0]
    h = x_cell; outs = []
    for li in (1, 2, 3):
        h = _gin(h, eic[0], eic[1], d["c%d_W1" % li], d["c%d_b1" % li], d["c%d_W2" % li], d["c%d_b2" % li], Nc)
        outs.append(h)
    z_cell = jnp.concatenate(outs, axis=1)
    z_c2t = jax.ops.segment_sum(z_cell, assignment, num_segments=Nt)
    h = jnp.concatenate([z_c2t, x_tissue], axis=1)
    outs = []
    for li in (1, 2, 3):
        h = _gin(h, eit[0], eit[1], d["t%d_W1" % li], d["t%d_b1" % li], d["t%d_W2" % li], d["t%d_b2" % li], Nt)
        outs.append(h)
    z_t = jnp.concatenate(outs, axis=1)
    sums = jax.ops.segment_sum(z_t, tb, num_segments=1)
    cnts = jax.ops.segment_sum(jnp.ones((Nt, 1), jnp.float32), tb, num_segments=1)
    g = sums / jnp.maximum(cnts, 1.0)
    hc = jax.nn.relu(jnp.dot(g, d["cls_W1"]) + d["cls_b1"])
    return jnp.dot(hc, d["cls_W2"]) + d["cls_b2"]

def reference(x_cell, x_tissue, edge_index_cell, edge_index_tissue, assignment,
              x_cell_batch, x_tissue_batch,
              c1_W1, c1_b1, c1_W2, c1_b2,
              c2_W1, c2_b1, c2_W2, c2_b2,
              c3_W1, c3_b1, c3_W2, c3_b2,
              t1_W1, t1_b1, t1_W2, t1_b2,
              t2_W1, t2_b1, t2_W2, t2_b2,
              t3_W1, t3_b1, t3_W2, t3_b2,
              cls_W1, cls_b1, cls_W2, cls_b2):
    kw = dict(locals())
    return _forward(kw, kw["edge_index_cell"], kw["edge_index_tissue"], kw["assignment"], kw["x_tissue_batch"])

if __name__ == "__main__":
    import jax
    _d = setup_inputs()
    print(jax.jit(kernel)(*tuple(_d.values())))

</pallas_src>

<mosaic_0001>
#map = affine_map<(d0, d1) -> (0)>
#map1 = affine_map<(d0, d1) -> (0, 0)>
#map2 = affine_map<(d0, d1) -> (0, 0, 0)>
module attributes {stable_mosaic.version = 14 : i64} {
  func.func @_segsum_cell(%arg0: i32, %arg1: i32, %arg2: memref<330240xi32, #tpu.memory_space<hbm>>, %arg3: memref<330240xi32, #tpu.memory_space<hbm>>, %arg4: memref<10240x128xf32, #tpu.memory_space<hbm>>, %arg5: memref<640x128xf32, #tpu.memory_space<hbm>>, %arg6: memref<2x10240x128xf32, #tpu.memory_space<hbm>>, %arg7: memref<120xi32, #tpu.memory_space<vmem>>, %arg8: memref<120xi32, #tpu.memory_space<vmem>>, %arg9: memref<120xi32, #tpu.memory_space<vmem>>, %arg10: memref<120xi32, #tpu.memory_space<vmem>>, %arg11: memref<120x128xf32, #tpu.memory_space<vmem>>, %arg12: memref<120x128xf32, #tpu.memory_space<vmem>>, %arg13: memref<10240x128xf32, #tpu.memory_space<vmem_shared>>, %arg14: memref<!tpu.dma_semaphore, #tpu.memory_space<semaphore_mem>>, %arg15: memref<!tpu.dma_semaphore, #tpu.memory_space<semaphore_mem>>, %arg16: memref<!tpu.dma_semaphore, #tpu.memory_space<semaphore_mem>>, %arg17: memref<!tpu.dma_semaphore, #tpu.memory_space<semaphore_mem>>) attributes {dimension_semantics = [#tpu.dimension_semantics<core_parallel>, #tpu.dimension_semantics<subcore_parallel>], iteration_bounds = array<i64: 2, 16>, scalar_prefetch = 0 : i64, scratch_operands = 11 : i64, tpu.core_type = #tpu.core_type<sc_vector_subcore>, window_params = [{transform_indices = #map}, {transform_indices = #map}, {transform_indices = #map1}, {transform_indices = #map1}, {transform_indices = #map2}]} {
    %mul3A = arith.constant 2 : i32
    %mul3A_0 = arith.muli %arg1, %mul3A : i32
    %add3A = arith.addi %mul3A_0, %arg0 : i32
    %mul3A_1 = arith.constant 10320 : i32
    %mul3A_2 = arith.muli %add3A, %mul3A_1 : i32
    %add3A_3 = arith.constant 0 : i32
    %add3A_4 = arith.addi %mul3A_2, %add3A_3 : i32
    %multiple_of3A = tpu.assume_multiple %add3A_4, 8 : i32
    %dma_start3A = tpu.memref_slice %arg2[%multiple_of3A] : memref<330240xi32, #tpu.memory_space<hbm>> -> memref<120xi32, #tpu.memory_space<hbm>>
    %dma_start3A_5 = tpu.memref_slice %arg2[%multiple_of3A] : memref<330240xi32, #tpu.memory_space<hbm>> -> memref<120xi32, #tpu.memory_space<hbm>>
    tpu.enqueue_dma source(%dma_start3A_5 : memref<120xi32, #tpu.memory_space<hbm>>) target(%arg7 : memref<120xi32, #tpu.memory_space<vmem>>) target_semaphore(%arg14 : memref<!tpu.dma_semaphore, #tpu.memory_space<semaphore_mem>>)
    %dma_start3A_6 = tpu.memref_slice %arg3[%multiple_of3A] : memref<330240xi32, #tpu.memory_space<hbm>> -> memref<120xi32, #tpu.memory_space<hbm>>
    %dma_start3A_7 = tpu.memref_slice %arg3[%multiple_of3A] : memref<330240xi32, #tpu.memory_space<hbm>> -> memref<120xi32, #tpu.memory_space<hbm>>
    tpu.enqueue_dma source(%dma_start3A_7 : memref<120xi32, #tpu.memory_space<hbm>>) target(%arg8 : memref<120xi32, #tpu.memory_space<vmem>>) target_semaphore(%arg14 : memref<!tpu.dma_semaphore, #tpu.memory_space<semaphore_mem>>)
    %add3A_8 = arith.constant 120 : i32
    %add3A_9 = arith.addi %mul3A_2, %add3A_8 : i32
    %multiple_of3A_10 = tpu.assume_multiple %add3A_9, 8 : i32
    %dma_start3A_11 = tpu.memref_slice %arg2[%multiple_of3A_10] : memref<330240xi32, #tpu.memory_space<hbm>> -> memref<120xi32, #tpu.memory_space<hbm>>
    %dma_start3A_12 = tpu.memref_slice %arg2[%multiple_of3A_10] : memref<330240xi32, #tpu.memory_space<hbm>> -> memref<120xi32, #tpu.memory_space<hbm>>
    tpu.enqueue_dma source(%dma_start3A_12 : memref<120xi32, #tpu.memory_space<hbm>>) target(%arg9 : memref<120xi32, #tpu.memory_space<vmem>>) target_semaphore(%arg15 : memref<!tpu.dma_semaphore, #tpu.memory_space<semaphore_mem>>)
    %dma_start3A_13 = tpu.memref_slice %arg3[%multiple_of3A_10] : memref<330240xi32, #tpu.memory_space<hbm>> -> memref<120xi32, #tpu.memory_space<hbm>>
    %dma_start3A_14 = tpu.memref_slice %arg3[%multiple_of3A_10] : memref<330240xi32, #tpu.memory_space<hbm>> -> memref<120xi32, #tpu.memory_space<hbm>>
    tpu.enqueue_dma source(%dma_start3A_14 : memref<120xi32, #tpu.memory_space<hbm>>) target(%arg10 : memref<120xi32, #tpu.memory_space<vmem>>) target_semaphore(%arg15 : memref<!tpu.dma_semaphore, #tpu.memory_space<semaphore_mem>>)
    %mul3A_15 = arith.constant 640 : i32
    %mul3A_16 = arith.muli %arg1, %mul3A_15 : i32
    "tpu.region"() ({
      %run_scoped3A = tpu.sem_alloc : memref<!tpu.dma_semaphore, #tpu.memory_space<semaphore_mem>>
      %dma_start3A_46 = arith.constant 0 : i32
      %dma_start3A_47 = tpu.memref_slice %arg13[%mul3A_16, %dma_start3A_46] : memref<10240x128xf32, #tpu.memory_space<vmem_shared>> -> memref<640x128xf32, #tpu.memory_space<vmem_shared>>
      tpu.enqueue_dma source(%arg5 : memref<640x128xf32, #tpu.memory_space<hbm>>) target(%dma_start3A_47 : memref<640x128xf32, #tpu.memory_space<vmem_shared>>) target_semaphore(%run_scoped3A : memref<!tpu.dma_semaphore, #tpu.memory_space<semaphore_mem>>)
      %dma_wait3A_48 = arith.constant 0 : i32
      %dma_wait3A_49 = tpu.memref_slice %arg13[%mul3A_16, %dma_wait3A_48] : memref<10240x128xf32, #tpu.memory_space<vmem_shared>> -> memref<640x128xf32, #tpu.memory_space<vmem_shared>>
      tpu.wait_dma2 semaphore(%run_scoped3A : memref<!tpu.dma_semaphore, #tpu.memory_space<semaphore_mem>>) src(%arg5 : memref<640x128xf32, #tpu.memory_space<hbm>>) dst(%dma_wait3A_49 : memref<640x128xf32, #tpu.memory_space<vmem_shared>>)
      tpu.yield
    }) : () -> ()
    %barrier3A = arith.constant 0 : index
    tpu.barrier barrier_id(%barrier3A)
    %add3A_17 = arith.constant 0 : i32
    %add3A_18 = arith.addi %mul3A_2, %add3A_17 : i32
    %multiple_of3A_19 = tpu.assume_multiple %add3A_18, 8 : i32
    %dma_wait3A = tpu.memref_slice %arg2[%multiple_of3A_19] : memref<330240xi32, #tpu.memory_space<hbm>> -> memref<120xi32, #tpu.memory_space<hbm>>
    %dma_wait3A_20 = tpu.memref_slice %arg2[%multiple_of3A_19] : memref<330240xi32, #tpu.memory_space<hbm>> -> memref<120xi32, #tpu.memory_space<hbm>>
    tpu.wait_dma2 semaphore(%arg14 : memref<!tpu.dma_semaphore, #tpu.memory_space<semaphore_mem>>) src(%dma_wait3A_20 : memref<120xi32, #tpu.memory_space<hbm>>) dst(%arg7 : memref<120xi32, #tpu.memory_space<vmem>>)
    %dma_wait3A_21 = tpu.memref_slice %arg3[%multiple_of3A_19] : memref<330240xi32, #tpu.memory_space<hbm>> -> memref<120xi32, #tpu.memory_space<hbm>>
    %dma_wait3A_22 = tpu.memref_slice %arg3[%multiple_of3A_19] : memref<330240xi32, #tpu.memory_space<hbm>> -> memref<120xi32, #tpu.memory_space<hbm>>
    tpu.wait_dma2 semaphore(%arg14 : memref<!tpu.dma_semaphore, #tpu.memory_space<semaphore_mem>>) src(%dma_wait3A_22 : memref<120xi32, #tpu.memory_space<hbm>>) dst(%arg8 : memref<120xi32, #tpu.memory_space<vmem>>)
    %dma_start3A_23 = arith.constant 0 : i32
    %dma_start3A_24 = arith.constant 0 : i32
    %dma_start3A_25 = tpu.memref_slice %arg4[%dma_start3A_23, %dma_start3A_24] : memref<10240x128xf32, #tpu.memory_space<hbm>> -> memref<10240x128xf32, #tpu.memory_space<hbm>>
    tpu.enqueue_indirect_dma source(%dma_start3A_25 : memref<10240x128xf32, #tpu.memory_space<hbm>>) target(%arg11 : memref<120x128xf32, #tpu.memory_space<vmem>>) offsets(%arg7 : memref<120xi32, #tpu.memory_space<vmem>>) semaphore(%arg16 : memref<!tpu.dma_semaphore, #tpu.memory_space<semaphore_mem>>)
    %scan3A = arith.constant 0 : i32
    %scan3A_26 = arith.constant 0 : i32
    %scan3A_27 = arith.constant 43 : i32
    %scan3A_28 = arith.addi %scan3A_26, %scan3A_27 : i32
    %scan3A_29 = arith.constant 1 : i32
    scf.for %scan3A_46 = %scan3A_26 to %scan3A_28 step %scan3A_29  : i32 {
      %mul3A_47 = arith.constant 2 : i32
      %mul3A_48 = arith.muli %mul3A_47, %scan3A_46 : i32
      %mul3A_49 = arith.constant 2 : i32
      %mul3A_50 = arith.muli %mul3A_49, %scan3A_46 : i32
      %add3A_51 = arith.constant 1 : i32
      %add3A_52 = arith.addi %mul3A_50, %add3A_51 : i32
      %mul3A_53 = arith.constant 120 : i32
      %mul3A_54 = arith.muli %add3A_52, %mul3A_53 : i32
      %add3A_55 = arith.addi %mul3A_2, %mul3A_54 : i32
      %multiple_of3A_56 = tpu.assume_multiple %add3A_55, 8 : i32
      %dma_wait3A_57 = tpu.memref_slice %arg2[%multiple_of3A_56] : memref<330240xi32, #tpu.memory_space<hbm>> -> memref<120xi32, #tpu.memory_space<hbm>>
      %dma_wait3A_58 = tpu.memref_slice %arg2[%multiple_of3A_56] : memref<330240xi32, #tpu.memory_space<hbm>> -> memref<120xi32, #tpu.memory_space<hbm>>
      tpu.wait_dma2 semaphore(%arg15 : memref<!tpu.dma_semaphore, #tpu.memory_space<semaphore_mem>>) src(%dma_wait3A_58 : memref<120xi32, #tpu.memory_space<hbm>>) dst(%arg9 : memref<120xi32, #tpu.memory_space<vmem>>)
      %dma_wait3A_59 = tpu.memref_slice %arg3[%multiple_of3A_56] : memref<330240xi32, #tpu.memory_space<hbm>> -> memref<120xi32, #tpu.memory_space<hbm>>
      %dma_wait3A_60 = tpu.memref_slice %arg3[%multiple_of3A_56] : memref<330240xi32, #tpu.memory_space<hbm>> -> memref<120xi32, #tpu.memory_space<hbm>>
      tpu.wait_dma2 semaphore(%arg15 : memref<!tpu.dma_semaphore, #tpu.memory_space<semaphore_mem>>) src(%dma_wait3A_60 : memref<120xi32, #tpu.memory_space<hbm>>) dst(%arg10 : memref<120xi32, #tpu.memory_space<vmem>>)
      %dma_start3A_61 = arith.constant 0 : i32
      %dma_start3A_62 = arith.constant 0 : i32
      %dma_start3A_63 = tpu.memref_slice %arg4[%dma_start3A_61, %dma_start3A_62] : memref<10240x128xf32, #tpu.memory_space<hbm>> -> memref<10240x128xf32, #tpu.memory_space<hbm>>
      tpu.enqueue_indirect_dma source(%dma_start3A_63 : memref<10240x128xf32, #tpu.memory_space<hbm>>) target(%arg12 : memref<120x128xf32, #tpu.memory_space<vmem>>) offsets(%arg9 : memref<120xi32, #tpu.memory_space<vmem>>) semaphore(%arg17 : memref<!tpu.dma_semaphore, #tpu.memory_space<semaphore_mem>>)
      %dma_wait3A_64 = arith.constant 0 : i32
      %dma_wait3A_65 = arith.constant 0 : i32
      %dma_wait3A_66 = tpu.memref_slice %arg4[%dma_wait3A_64, %dma_wait3A_65] : memref<10240x128xf32, #tpu.memory_space<hbm>> -> memref<10240x128xf32, #tpu.memory_space<hbm>>
      tpu.wait_indirect_dma semaphore(%arg16 : memref<!tpu.dma_semaphore, #tpu.memory_space<semaphore_mem>>) src(%dma_wait3A_66 : memref<10240x128xf32, #tpu.memory_space<hbm>>) dst(%arg11 : memref<120x128xf32, #tpu.memory_space<vmem>>)
      "tpu.region"() ({
        %run_scoped3A = tpu.sem_alloc : memref<!tpu.dma_semaphore, #tpu.memory_space<semaphore_mem>>
        %dma_start3A_104 = arith.constant 0 : i32
        %dma_start3A_105 = arith.constant 0 : i32
        %dma_start3A_106 = tpu.memref_slice %arg13[%dma_start3A_104, %dma_start3A_105] : memref<10240x128xf32, #tpu.memory_space<vmem_shared>> -> memref<10240x128xf32, #tpu.memory_space<vmem_shared>>
        tpu.enqueue_indirect_dma source(%arg11 : memref<120x128xf32, #tpu.memory_space<vmem>>) target(%dma_start3A_106 : memref<10240x128xf32, #tpu.memory_space<vmem_shared>>) offsets(%arg8 : memref<120xi32, #tpu.memory_space<vmem>>) semaphore(%run_scoped3A : memref<!tpu.dma_semaphore, #tpu.memory_space<semaphore_mem>>) {add = true}
        %dma_wait3A_107 = arith.constant 0 : i32
        %dma_wait3A_108 = arith.constant 0 : i32
        %dma_wait3A_109 = tpu.memref_slice %arg13[%dma_wait3A_107, %dma_wait3A_108] : memref<10240x128xf32, #tpu.memory_space<vmem_shared>> -> memref<10240x128xf32, #tpu.memory_space<vmem_shared>>
        tpu.wait_indirect_dma semaphore(%run_scoped3A : memref<!tpu.dma_semaphore, #tpu.memory_space<semaphore_mem>>) src(%arg11 : memref<120x128xf32, #tpu.memory_space<vmem>>) dst(%dma_wait3A_109 : memref<10240x128xf32, #tpu.memory_space<vmem_shared>>)
        tpu.yield
      }) : () -> ()
      %add3A_67 = arith.constant 2 : i32
      %add3A_68 = arith.addi %mul3A_48, %add3A_67 : i32
      %min3A = arith.constant 85 : i32
      %min3A_69 = arith.minsi %add3A_68, %min3A : i32
      %mul3A_70 = arith.constant 120 : i32
      %mul3A_71 = arith.muli %min3A_69, %mul3A_70 : i32
      %add3A_72 = arith.addi %mul3A_2, %mul3A_71 : i32
      %multiple_of3A_73 = tpu.assume_multiple %add3A_72, 8 : i32
      %dma_start3A_74 = tpu.memref_slice %arg2[%multiple_of3A_73] : memref<330240xi32, #tpu.memory_space<hbm>> -> memref<120xi32, #tpu.memory_space<hbm>>
      %dma_start3A_75 = tpu.memref_slice %arg2[%multiple_of3A_73] : memref<330240xi32, #tpu.memory_space<hbm>> -> memref<120xi32, #tpu.memory_space<hbm>>
      tpu.enqueue_dma source(%dma_start3A_75 : memref<120xi32, #tpu.memory_space<hbm>>) target(%arg7 : memref<120xi32, #tpu.memory_space<vmem>>) target_semaphore(%arg14 : memref<!tpu.dma_semaphore, #tpu.memory_space<semaphore_mem>>)
      %dma_start3A_76 = tpu.memref_slice %arg3[%multiple_of3A_73] : memref<330240xi32, #tpu.memory_space<hbm>> -> memref<120xi32, #tpu.memory_space<hbm>>
      %dma_start3A_77 = tpu.memref_slice %arg3[%multiple_of3A_73] : memref<330240xi32, #tpu.memory_space<hbm>> -> memref<120xi32, #tpu.memory_space<hbm>>
      tpu.enqueue_dma source(%dma_start3A_77 : memref<120xi32, #tpu.memory_space<hbm>>) target(%arg8 : memref<120xi32, #tpu.memory_space<vmem>>) target_semaphore(%arg14 : memref<!tpu.dma_semaphore, #tpu.memory_space<semaphore_mem>>)
      %dma_wait3A_78 = arith.constant 0 : i32
      %dma_wait3A_79 = arith.constant 0 : i32
      %dma_wait3A_80 = tpu.memref_slice %arg4[%dma_wait3A_78, %dma_wait3A_79] : memref<10240x128xf32, #tpu.memory_space<hbm>> -> memref<10240x128xf32, #tpu.memory_space<hbm>>
      tpu.wait_indirect_dma semaphore(%arg17 : memref<!tpu.dma_semaphore, #tpu.memory_space<semaphore_mem>>) src(%dma_wait3A_80 : memref<10240x128xf32, #tpu.memory_space<hbm>>) dst(%arg12 : memref<120x128xf32, #tpu.memory_space<vmem>>)
      "tpu.region"() ({
        %run_scoped3A = tpu.sem_alloc : memref<!tpu.dma_semaphore, #tpu.memory_space<semaphore_mem>>
        %dma_start3A_104 = arith.constant 0 : i32
        %dma_start3A_105 = arith.constant 0 : i32
        %dma_start3A_106 = tpu.memref_slice %arg13[%dma_start3A_104, %dma_start3A_105] : memref<10240x128xf32, #tpu.memory_space<vmem_shared>> -> memref<10240x128xf32, #tpu.memory_space<vmem_shared>>
        tpu.enqueue_indirect_dma source(%arg12 : memref<120x128xf32, #tpu.memory_space<vmem>>) target(%dma_start3A_106 : memref<10240x128xf32, #tpu.memory_space<vmem_shared>>) offsets(%arg10 : memref<120xi32, #tpu.memory_space<vmem>>) semaphore(%run_scoped3A : memref<!tpu.dma_semaphore, #tpu.memory_space<semaphore_mem>>) {add = true}
        %dma_wait3A_107 = arith.constant 0 : i32
        %dma_wait3A_108 = arith.constant 0 : i32
        %dma_wait3A_109 = tpu.memref_slice %arg13[%dma_wait3A_107, %dma_wait3A_108] : memref<10240x128xf32, #tpu.memory_space<vmem_shared>> -> memref<10240x128xf32, #tpu.memory_space<vmem_shared>>
        tpu.wait_indirect_dma semaphore(%run_scoped3A : memref<!tpu.dma_semaphore, #tpu.memory_space<semaphore_mem>>) src(%arg12 : memref<120x128xf32, #tpu.memory_space<vmem>>) dst(%dma_wait3A_109 : memref<10240x128xf32, #tpu.memory_space<vmem_shared>>)
        tpu.yield
      }) : () -> ()
      %add3A_81 = arith.constant 2 : i32
      %add3A_82 = arith.addi %add3A_52, %add3A_81 : i32
      %min3A_83 = arith.constant 85 : i32
      %min3A_84 = arith.minsi %add3A_82, %min3A_83 : i32
      %mul3A_85 = arith.constant 120 : i32
      %mul3A_86 = arith.muli %min3A_84, %mul3A_85 : i32
      %add3A_87 = arith.addi %mul3A_2, %mul3A_86 : i32
      %multiple_of3A_88 = tpu.assume_multiple %add3A_87, 8 : i32
      %dma_start3A_89 = tpu.memref_slice %arg2[%multiple_of3A_88] : memref<330240xi32, #tpu.memory_space<hbm>> -> memref<120xi32, #tpu.memory_space<hbm>>
      %dma_start3A_90 = tpu.memref_slice %arg2[%multiple_of3A_88] : memref<330240xi32, #tpu.memory_space<hbm>> -> memref<120xi32, #tpu.memory_space<hbm>>
      tpu.enqueue_dma source(%dma_start3A_90 : memref<120xi32, #tpu.memory_space<hbm>>) target(%arg9 : memref<120xi32, #tpu.memory_space<vmem>>) target_semaphore(%arg15 : memref<!tpu.dma_semaphore, #tpu.memory_space<semaphore_mem>>)
      %dma_start3A_91 = tpu.memref_slice %arg3[%multiple_of3A_88] : memref<330240xi32, #tpu.memory_space<hbm>> -> memref<120xi32, #tpu.memory_space<hbm>>
      %dma_start3A_92 = tpu.memref_slice %arg3[%multiple_of3A_88] : memref<330240xi32, #tpu.memory_space<hbm>> -> memref<120xi32, #tpu.memory_space<hbm>>
      tpu.enqueue_dma source(%dma_start3A_92 : memref<120xi32, #tpu.memory_space<hbm>>) target(%arg10 : memref<120xi32, #tpu.memory_space<vmem>>) target_semaphore(%arg15 : memref<!tpu.dma_semaphore, #tpu.memory_space<semaphore_mem>>)
      %mul3A_93 = arith.constant 120 : i32
      %mul3A_94 = arith.muli %min3A_69, %mul3A_93 : i32
      %add3A_95 = arith.addi %mul3A_2, %mul3A_94 : i32
      %multiple_of3A_96 = tpu.assume_multiple %add3A_95, 8 : i32
      %dma_wait3A_97 = tpu.memref_slice %arg2[%multiple_of3A_96] : memref<330240xi32, #tpu.memory_space<hbm>> -> memref<120xi32, #tpu.memory_space<hbm>>
      %dma_wait3A_98 = tpu.memref_slice %arg2[%multiple_of3A_96] : memref<330240xi32, #tpu.memory_space<hbm>> -> memref<120xi32, #tpu.memory_space<hbm>>
      tpu.wait_dma2 semaphore(%arg14 : memref<!tpu.dma_semaphore, #tpu.memory_space<semaphore_mem>>) src(%dma_wait3A_98 : memref<120xi32, #tpu.memory_space<hbm>>) dst(%arg7 : memref<120xi32, #tpu.memory_space<vmem>>)
      %dma_wait3A_99 = tpu.memref_slice %arg3[%multiple_of3A_96] : memref<330240xi32, #tpu.memory_space<hbm>> -> memref<120xi32, #tpu.memory_space<hbm>>
      %dma_wait3A_100 = tpu.memref_slice %arg3[%multiple_of3A_96] : memref<330240xi32, #tpu.memory_space<hbm>> -> memref<120xi32, #tpu.memory_space<hbm>>
      tpu.wait_dma2 semaphore(%arg14 : memref<!tpu.dma_semaphore, #tpu.memory_space<semaphore_mem>>) src(%dma_wait3A_100 : memref<120xi32, #tpu.memory_space<hbm>>) dst(%arg8 : memref<120xi32, #tpu.memory_space<vmem>>)
      %dma_start3A_101 = arith.constant 0 : i32
      %dma_start3A_102 = arith.constant 0 : i32
      %dma_start3A_103 = tpu.memref_slice %arg4[%dma_start3A_101, %dma_start3A_102] : memref<10240x128xf32, #tpu.memory_space<hbm>> -> memref<10240x128xf32, #tpu.memory_space<hbm>>
      tpu.enqueue_indirect_dma source(%dma_start3A_103 : memref<10240x128xf32, #tpu.memory_space<hbm>>) target(%arg11 : memref<120x128xf32, #tpu.memory_space<vmem>>) offsets(%arg7 : memref<120xi32, #tpu.memory_space<vmem>>) semaphore(%arg16 : memref<!tpu.dma_semaphore, #tpu.memory_space<semaphore_mem>>)
    }
    %scan3A_30 = arith.constant 43 : i32
    %dma_wait3A_31 = arith.constant 0 : i32
    %dma_wait3A_32 = arith.constant 0 : i32
    %dma_wait3A_33 = tpu.memref_slice %arg4[%dma_wait3A_31, %dma_wait3A_32] : memref<10240x128xf32, #tpu.memory_space<hbm>> -> memref<10240x128xf32, #tpu.memory_space<hbm>>
    tpu.wait_indirect_dma semaphore(%arg16 : memref<!tpu.dma_semaphore, #tpu.memory_space<semaphore_mem>>) src(%dma_wait3A_33 : memref<10240x128xf32, #tpu.memory_space<hbm>>) dst(%arg11 : memref<120x128xf32, #tpu.memory_space<vmem>>)
    %add3A_34 = arith.constant 10200 : i32
    %add3A_35 = arith.addi %mul3A_2, %add3A_34 : i32
    %multiple_of3A_36 = tpu.assume_multiple %add3A_35, 8 : i32
    %dma_wait3A_37 = tpu.memref_slice %arg2[%multiple_of3A_36] : memref<330240xi32, #tpu.memory_space<hbm>> -> memref<120xi32, #tpu.memory_space<hbm>>
    %dma_wait3A_38 = tpu.memref_slice %arg2[%multiple_of3A_36] : memref<330240xi32, #tpu.memory_space<hbm>> -> memref<120xi32, #tpu.memory_space<hbm>>
    tpu.wait_dma2 semaphore(%arg15 : memref<!tpu.dma_semaphore, #tpu.memory_space<semaphore_mem>>) src(%dma_wait3A_38 : memref<120xi32, #tpu.memory_space<hbm>>) dst(%arg9 : memref<120xi32, #tpu.memory_space<vmem>>)
    %dma_wait3A_39 = tpu.memref_slice %arg3[%multiple_of3A_36] : memref<330240xi32, #tpu.memory_space<hbm>> -> memref<120xi32, #tpu.memory_space<hbm>>
    %dma_wait3A_40 = tpu.memref_slice %arg3[%multiple_of3A_36] : memref<330240xi32, #tpu.memory_space<hbm>> -> memref<120xi32, #tpu.memory_space<hbm>>
    tpu.wait_dma2 semaphore(%arg15 : memref<!tpu.dma_semaphore, #tpu.memory_space<semaphore_mem>>) src(%dma_wait3A_40 : memref<120xi32, #tpu.memory_space<hbm>>) dst(%arg10 : memref<120xi32, #tpu.memory_space<vmem>>)
    %barrier3A_41 = arith.constant 0 : index
    tpu.barrier barrier_id(%barrier3A_41)
    %mul3A_42 = arith.constant 640 : i32
    %mul3A_43 = arith.muli %arg1, %mul3A_42 : i32
    %mul3A_44 = arith.constant 640 : i32
    %mul3A_45 = arith.muli %arg1, %mul3A_44 : i32
    "tpu.region"() ({
      %run_scoped3A = tpu.sem_alloc : memref<!tpu.dma_semaphore, #tpu.memory_space<semaphore_mem>>
      %dma_start3A_46 = arith.constant 0 : i32
      %dma_start3A_47 = tpu.memref_slice %arg6[%arg0, %mul3A_45, %dma_start3A_46] : memref<2x10240x128xf32, #tpu.memory_space<hbm>> -> memref<1x640x128xf32, #tpu.memory_space<hbm>>
      %dma_start3A_48 = tpu.memref_squeeze %dma_start3A_47 : memref<1x640x128xf32, #tpu.memory_space<hbm>> -> memref<640x128xf32, #tpu.memory_space<hbm>>
      %dma_start3A_49 = arith.constant 0 : i32
      %dma_start3A_50 = tpu.memref_slice %arg13[%mul3A_43, %dma_start3A_49] : memref<10240x128xf32, #tpu.memory_space<vmem_shared>> -> memref<640x128xf32, #tpu.memory_space<vmem_shared>>
      tpu.enqueue_dma source(%dma_start3A_50 : memref<640x128xf32, #tpu.memory_space<vmem_shared>>) target(%dma_start3A_48 : memref<640x128xf32, #tpu.memory_space<hbm>>) target_semaphore(%run_scoped3A : memref<!tpu.dma_semaphore, #tpu.memory_space<semaphore_mem>>)
      %dma_wait3A_51 = arith.constant 0 : i32
      %dma_wait3A_52 = tpu.memref_slice %arg6[%arg0, %mul3A_45, %dma_wait3A_51] : memref<2x10240x128xf32, #tpu.memory_space<hbm>> -> memref<1x640x128xf32, #tpu.memory_space<hbm>>
      %dma_wait3A_53 = tpu.memref_squeeze %dma_wait3A_52 : memref<1x640x128xf32, #tpu.memory_space<hbm>> -> memref<640x128xf32, #tpu.memory_space<hbm>>
      %dma_wait3A_54 = arith.constant 0 : i32
      %dma_wait3A_55 = tpu.memref_slice %arg13[%mul3A_43, %dma_wait3A_54] : memref<10240x128xf32, #tpu.memory_space<vmem_shared>> -> memref<640x128xf32, #tpu.memory_space<vmem_shared>>
      tpu.wait_dma2 semaphore(%run_scoped3A : memref<!tpu.dma_semaphore, #tpu.memory_space<semaphore_mem>>) src(%dma_wait3A_55 : memref<640x128xf32, #tpu.memory_space<vmem_shared>>) dst(%dma_wait3A_53 : memref<640x128xf32, #tpu.memory_space<hbm>>)
      tpu.yield
    }) : () -> ()
    return
  }
}

#map = affine_map<(d0, d1) -> (0)>
#map1 = affine_map<(d0, d1) -> (0, 0)>
#map2 = affine_map<(d0, d1) -> (0, 0, 0)>
module attributes {stable_mosaic.version = 14 : i64} {
  func.func @_segsum_cell(%arg0: i32, %arg1: i32, %arg2: memref<330240xi32, #tpu.memory_space<hbm>>, %arg3: memref<330240xi32, #tpu.memory_space<hbm>>, %arg4: memref<10240x128xf32, #tpu.memory_space<hbm>>, %arg5: memref<640x128xf32, #tpu.memory_space<hbm>>, %arg6: memref<2x10240x128xf32, #tpu.memory_space<hbm>>, %arg7: memref<120xi32, #tpu.memory_space<vmem>>, %arg8: memref<120xi32, #tpu.memory_space<vmem>>, %arg9: memref<120xi32, #tpu.memory_space<vmem>>, %arg10: memref<120xi32, #tpu.memory_space<vmem>>, %arg11: memref<120x128xf32, #tpu.memory_space<vmem>>, %arg12: memref<120x128xf32, #tpu.memory_space<vmem>>, %arg13: memref<10240x128xf32, #tpu.memory_space<vmem_shared>>, %arg14: memref<!tpu.dma_semaphore, #tpu.memory_space<semaphore_mem>>, %arg15: memref<!tpu.dma_semaphore, #tpu.memory_space<semaphore_mem>>, %arg16: memref<!tpu.dma_semaphore, #tpu.memory_space<semaphore_mem>>, %arg17: memref<!tpu.dma_semaphore, #tpu.memory_space<semaphore_mem>>) attributes {dimension_semantics = [#tpu.dimension_semantics<core_parallel>, #tpu.dimension_semantics<subcore_parallel>], iteration_bounds = array<i64: 2, 16>, scalar_prefetch = 0 : i64, scratch_operands = 11 : i64, tpu.core_type = #tpu.core_type<sc_vector_subcore>, window_params = [{transform_indices = #map}, {transform_indices = #map}, {transform_indices = #map1}, {transform_indices = #map1}, {transform_indices = #map2}]} {
    %mul3A = arith.constant 2 : i32
    %mul3A_0 = arith.muli %arg1, %mul3A : i32
    %add3A = arith.addi %mul3A_0, %arg0 : i32
    %mul3A_1 = arith.constant 10320 : i32
    %mul3A_2 = arith.muli %add3A, %mul3A_1 : i32
    %add3A_3 = arith.constant 0 : i32
    %add3A_4 = arith.addi %mul3A_2, %add3A_3 : i32
    %multiple_of3A = tpu.assume_multiple %add3A_4, 8 : i32
    %dma_start3A = tpu.memref_slice %arg2[%multiple_of3A] : memref<330240xi32, #tpu.memory_space<hbm>> -> memref<120xi32, #tpu.memory_space<hbm>>
    %dma_start3A_5 = tpu.memref_slice %arg2[%multiple_of3A] : memref<330240xi32, #tpu.memory_space<hbm>> -> memref<120xi32, #tpu.memory_space<hbm>>
    tpu.enqueue_dma source(%dma_start3A_5 : memref<120xi32, #tpu.memory_space<hbm>>) target(%arg7 : memref<120xi32, #tpu.memory_space<vmem>>) target_semaphore(%arg14 : memref<!tpu.dma_semaphore, #tpu.memory_space<semaphore_mem>>)
    %dma_start3A_6 = tpu.memref_slice %arg3[%multiple_of3A] : memref<330240xi32, #tpu.memory_space<hbm>> -> memref<120xi32, #tpu.memory_space<hbm>>
    %dma_start3A_7 = tpu.memref_slice %arg3[%multiple_of3A] : memref<330240xi32, #tpu.memory_space<hbm>> -> memref<120xi32, #tpu.memory_space<hbm>>
    tpu.enqueue_dma source(%dma_start3A_7 : memref<120xi32, #tpu.memory_space<hbm>>) target(%arg8 : memref<120xi32, #tpu.memory_space<vmem>>) target_semaphore(%arg14 : memref<!tpu.dma_semaphore, #tpu.memory_space<semaphore_mem>>)
    %add3A_8 = arith.constant 120 : i32
    %add3A_9 = arith.addi %mul3A_2, %add3A_8 : i32
    %multiple_of3A_10 = tpu.assume_multiple %add3A_9, 8 : i32
    %dma_start3A_11 = tpu.memref_slice %arg2[%multiple_of3A_10] : memref<330240xi32, #tpu.memory_space<hbm>> -> memref<120xi32, #tpu.memory_space<hbm>>
    %dma_start3A_12 = tpu.memref_slice %arg2[%multiple_of3A_10] : memref<330240xi32, #tpu.memory_space<hbm>> -> memref<120xi32, #tpu.memory_space<hbm>>
    tpu.enqueue_dma source(%dma_start3A_12 : memref<120xi32, #tpu.memory_space<hbm>>) target(%arg9 : memref<120xi32, #tpu.memory_space<vmem>>) target_semaphore(%arg15 : memref<!tpu.dma_semaphore, #tpu.memory_space<semaphore_mem>>)
    %dma_start3A_13 = tpu.memref_slice %arg3[%multiple_of3A_10] : memref<330240xi32, #tpu.memory_space<hbm>> -> memref<120xi32, #tpu.memory_space<hbm>>
    %dma_start3A_14 = tpu.memref_slice %arg3[%multiple_of3A_10] : memref<330240xi32, #tpu.memory_space<hbm>> -> memref<120xi32, #tpu.memory_space<hbm>>
    tpu.enqueue_dma source(%dma_start3A_14 : memref<120xi32, #tpu.memory_space<hbm>>) target(%arg10 : memref<120xi32, #tpu.memory_space<vmem>>) target_semaphore(%arg15 : memref<!tpu.dma_semaphore, #tpu.memory_space<semaphore_mem>>)
    %mul3A_15 = arith.constant 640 : i32
    %mul3A_16 = arith.muli %arg1, %mul3A_15 : i32
    "tpu.region"() ({
      %run_scoped3A = tpu.sem_alloc : memref<!tpu.dma_semaphore, #tpu.memory_space<semaphore_mem>>
      %dma_start3A_46 = arith.constant 0 : i32
      %dma_start3A_47 = tpu.memref_slice %arg13[%mul3A_16, %dma_start3A_46] : memref<10240x128xf32, #tpu.memory_space<vmem_shared>> -> memref<640x128xf32, #tpu.memory_space<vmem_shared>>
      tpu.enqueue_dma source(%arg5 : memref<640x128xf32, #tpu.memory_space<hbm>>) target(%dma_start3A_47 : memref<640x128xf32, #tpu.memory_space<vmem_shared>>) target_semaphore(%run_scoped3A : memref<!tpu.dma_semaphore, #tpu.memory_space<semaphore_mem>>)
      %dma_wait3A_48 = arith.constant 0 : i32
      %dma_wait3A_49 = tpu.memref_slice %arg13[%mul3A_16, %dma_wait3A_48] : memref<10240x128xf32, #tpu.memory_space<vmem_shared>> -> memref<640x128xf32, #tpu.memory_space<vmem_shared>>
      tpu.wait_dma2 semaphore(%run_scoped3A : memref<!tpu.dma_semaphore, #tpu.memory_space<semaphore_mem>>) src(%arg5 : memref<640x128xf32, #tpu.memory_space<hbm>>) dst(%dma_wait3A_49 : memref<640x128xf32, #tpu.memory_space<vmem_shared>>)
      tpu.yield
    }) : () -> ()
    %barrier3A = arith.constant 0 : index
    tpu.barrier barrier_id(%barrier3A)
    %add3A_17 = arith.constant 0 : i32
    %add3A_18 = arith.addi %mul3A_2, %add3A_17 : i32
    %multiple_of3A_19 = tpu.assume_multiple %add3A_18, 8 : i32
    %dma_wait3A = tpu.memref_slice %arg2[%multiple_of3A_19] : memref<330240xi32, #tpu.memory_space<hbm>> -> memref<120xi32, #tpu.memory_space<hbm>>
    %dma_wait3A_20 = tpu.memref_slice %arg2[%multiple_of3A_19] : memref<330240xi32, #tpu.memory_space<hbm>> -> memref<120xi32, #tpu.memory_space<hbm>>
    tpu.wait_dma2 semaphore(%arg14 : memref<!tpu.dma_semaphore, #tpu.memory_space<semaphore_mem>>) src(%dma_wait3A_20 : memref<120xi32, #tpu.memory_space<hbm>>) dst(%arg7 : memref<120xi32, #tpu.memory_space<vmem>>)
    %dma_wait3A_21 = tpu.memref_slice %arg3[%multiple_of3A_19] : memref<330240xi32, #tpu.memory_space<hbm>> -> memref<120xi32, #tpu.memory_space<hbm>>
    %dma_wait3A_22 = tpu.memref_slice %arg3[%multiple_of3A_19] : memref<330240xi32, #tpu.memory_space<hbm>> -> memref<120xi32, #tpu.memory_space<hbm>>
    tpu.wait_dma2 semaphore(%arg14 : memref<!tpu.dma_semaphore, #tpu.memory_space<semaphore_mem>>) src(%dma_wait3A_22 : memref<120xi32, #tpu.memory_space<hbm>>) dst(%arg8 : memref<120xi32, #tpu.memory_space<vmem>>)
    %dma_start3A_23 = arith.constant 0 : i32
    %dma_start3A_24 = arith.constant 0 : i32
    %dma_start3A_25 = tpu.memref_slice %arg4[%dma_start3A_23, %dma_start3A_24] : memref<10240x128xf32, #tpu.memory_space<hbm>> -> memref<10240x128xf32, #tpu.memory_space<hbm>>
    tpu.enqueue_indirect_dma source(%dma_start3A_25 : memref<10240x128xf32, #tpu.memory_space<hbm>>) target(%arg11 : memref<120x128xf32, #tpu.memory_space<vmem>>) offsets(%arg7 : memref<120xi32, #tpu.memory_space<vmem>>) semaphore(%arg16 : memref<!tpu.dma_semaphore, #tpu.memory_space<semaphore_mem>>)
    %scan3A = arith.constant 0 : i32
    %scan3A_26 = arith.constant 0 : i32
    %scan3A_27 = arith.constant 43 : i32
    %scan3A_28 = arith.addi %scan3A_26, %scan3A_27 : i32
    %scan3A_29 = arith.constant 1 : i32
    scf.for %scan3A_46 = %scan3A_26 to %scan3A_28 step %scan3A_29  : i32 {
      %mul3A_47 = arith.constant 2 : i32
      %mul3A_48 = arith.muli %mul3A_47, %scan3A_46 : i32
      %mul3A_49 = arith.constant 2 : i32
      %mul3A_50 = arith.muli %mul3A_49, %scan3A_46 : i32
      %add3A_51 = arith.constant 1 : i32
      %add3A_52 = arith.addi %mul3A_50, %add3A_51 : i32
      %mul3A_53 = arith.constant 120 : i32
      %mul3A_54 = arith.muli %add3A_52, %mul3A_53 : i32
      %add3A_55 = arith.addi %mul3A_2, %mul3A_54 : i32
      %multiple_of3A_56 = tpu.assume_multiple %add3A_55, 8 : i32
      %dma_wait3A_57 = tpu.memref_slice %arg2[%multiple_of3A_56] : memref<330240xi32, #tpu.memory_space<hbm>> -> memref<120xi32, #tpu.memory_space<hbm>>
      %dma_wait3A_58 = tpu.memref_slice %arg2[%multiple_of3A_56] : memref<330240xi32, #tpu.memory_space<hbm>> -> memref<120xi32, #tpu.memory_space<hbm>>
      tpu.wait_dma2 semaphore(%arg15 : memref<!tpu.dma_semaphore, #tpu.memory_space<semaphore_mem>>) src(%dma_wait3A_58 : memref<120xi32, #tpu.memory_space<hbm>>) dst(%arg9 : memref<120xi32, #tpu.memory_space<vmem>>)
      %dma_wait3A_59 = tpu.memref_slice %arg3[%multiple_of3A_56] : memref<330240xi32, #tpu.memory_space<hbm>> -> memref<120xi32, #tpu.memory_space<hbm>>
      %dma_wait3A_60 = tpu.memref_slice %arg3[%multiple_of3A_56] : memref<330240xi32, #tpu.memory_space<hbm>> -> memref<120xi32, #tpu.memory_space<hbm>>
      tpu.wait_dma2 semaphore(%arg15 : memref<!tpu.dma_semaphore, #tpu.memory_space<semaphore_mem>>) src(%dma_wait3A_60 : memref<120xi32, #tpu.memory_space<hbm>>) dst(%arg10 : memref<120xi32, #tpu.memory_space<vmem>>)
      %dma_start3A_61 = arith.constant 0 : i32
      %dma_start3A_62 = arith.constant 0 : i32
      %dma_start3A_63 = tpu.memref_slice %arg4[%dma_start3A_61, %dma_start3A_62] : memref<10240x128xf32, #tpu.memory_space<hbm>> -> memref<10240x128xf32, #tpu.memory_space<hbm>>
      tpu.enqueue_indirect_dma source(%dma_start3A_63 : memref<10240x128xf32, #tpu.memory_space<hbm>>) target(%arg12 : memref<120x128xf32, #tpu.memory_space<vmem>>) offsets(%arg9 : memref<120xi32, #tpu.memory_space<vmem>>) semaphore(%arg17 : memref<!tpu.dma_semaphore, #tpu.memory_space<semaphore_mem>>)
      %dma_wait3A_64 = arith.constant 0 : i32
      %dma_wait3A_65 = arith.constant 0 : i32
      %dma_wait3A_66 = tpu.memref_slice %arg4[%dma_wait3A_64, %dma_wait3A_65] : memref<10240x128xf32, #tpu.memory_space<hbm>> -> memref<10240x128xf32, #tpu.memory_space<hbm>>
      tpu.wait_indirect_dma semaphore(%arg16 : memref<!tpu.dma_semaphore, #tpu.memory_space<semaphore_mem>>) src(%dma_wait3A_66 : memref<10240x128xf32, #tpu.memory_space<hbm>>) dst(%arg11 : memref<120x128xf32, #tpu.memory_space<vmem>>)
      "tpu.region"() ({
        %run_scoped3A = tpu.sem_alloc : memref<!tpu.dma_semaphore, #tpu.memory_space<semaphore_mem>>
        %dma_start3A_104 = arith.constant 0 : i32
        %dma_start3A_105 = arith.constant 0 : i32
        %dma_start3A_106 = tpu.memref_slice %arg13[%dma_start3A_104, %dma_start3A_105] : memref<10240x128xf32, #tpu.memory_space<vmem_shared>> -> memref<10240x128xf32, #tpu.memory_space<vmem_shared>>
        tpu.enqueue_indirect_dma source(%arg11 : memref<120x128xf32, #tpu.memory_space<vmem>>) target(%dma_start3A_106 : memref<10240x128xf32, #tpu.memory_space<vmem_shared>>) offsets(%arg8 : memref<120xi32, #tpu.memory_space<vmem>>) semaphore(%run_scoped3A : memref<!tpu.dma_semaphore, #tpu.memory_space<semaphore_mem>>) {add = true}
        %dma_wait3A_107 = arith.constant 0 : i32
        %dma_wait3A_108 = arith.constant 0 : i32
        %dma_wait3A_109 = tpu.memref_slice %arg13[%dma_wait3A_107, %dma_wait3A_108] : memref<10240x128xf32, #tpu.memory_space<vmem_shared>> -> memref<10240x128xf32, #tpu.memory_space<vmem_shared>>
        tpu.wait_indirect_dma semaphore(%run_scoped3A : memref<!tpu.dma_semaphore, #tpu.memory_space<semaphore_mem>>) src(%arg11 : memref<120x128xf32, #tpu.memory_space<vmem>>) dst(%dma_wait3A_109 : memref<10240x128xf32, #tpu.memory_space<vmem_shared>>)
        tpu.yield
      }) : () -> ()
      %add3A_67 = arith.constant 2 : i32
      %add3A_68 = arith.addi %mul3A_48, %add3A_67 : i32
      %min3A = arith.constant 85 : i32
      %min3A_69 = arith.minsi %add3A_68, %min3A : i32
      %mul3A_70 = arith.constant 120 : i32
      %mul3A_71 = arith.muli %min3A_69, %mul3A_70 : i32
      %add3A_72 = arith.addi %mul3A_2, %mul3A_71 : i32
      %multiple_of3A_73 = tpu.assume_multiple %add3A_72, 8 : i32
      %dma_start3A_74 = tpu.memref_slice %arg2[%multiple_of3A_73] : memref<330240xi32, #tpu.memory_space<hbm>> -> memref<120xi32, #tpu.memory_space<hbm>>
      %dma_start3A_75 = tpu.memref_slice %arg2[%multiple_of3A_73] : memref<330240xi32, #tpu.memory_space<hbm>> -> memref<120xi32, #tpu.memory_space<hbm>>
      tpu.enqueue_dma source(%dma_start3A_75 : memref<120xi32, #tpu.memory_space<hbm>>) target(%arg7 : memref<120xi32, #tpu.memory_space<vmem>>) target_semaphore(%arg14 : memref<!tpu.dma_semaphore, #tpu.memory_space<semaphore_mem>>)
      %dma_start3A_76 = tpu.memref_slice %arg3[%multiple_of3A_73] : memref<330240xi32, #tpu.memory_space<hbm>> -> memref<120xi32, #tpu.memory_space<hbm>>
      %dma_start3A_77 = tpu.memref_slice %arg3[%multiple_of3A_73] : memref<330240xi32, #tpu.memory_space<hbm>> -> memref<120xi32, #tpu.memory_space<hbm>>
      tpu.enqueue_dma source(%dma_start3A_77 : memref<120xi32, #tpu.memory_space<hbm>>) target(%arg8 : memref<120xi32, #tpu.memory_space<vmem>>) target_semaphore(%arg14 : memref<!tpu.dma_semaphore, #tpu.memory_space<semaphore_mem>>)
      %dma_wait3A_78 = arith.constant 0 : i32
      %dma_wait3A_79 = arith.constant 0 : i32
      %dma_wait3A_80 = tpu.memref_slice %arg4[%dma_wait3A_78, %dma_wait3A_79] : memref<10240x128xf32, #tpu.memory_space<hbm>> -> memref<10240x128xf32, #tpu.memory_space<hbm>>
      tpu.wait_indirect_dma semaphore(%arg17 : memref<!tpu.dma_semaphore, #tpu.memory_space<semaphore_mem>>) src(%dma_wait3A_80 : memref<10240x128xf32, #tpu.memory_space<hbm>>) dst(%arg12 : memref<120x128xf32, #tpu.memory_space<vmem>>)
      "tpu.region"() ({
        %run_scoped3A = tpu.sem_alloc : memref<!tpu.dma_semaphore, #tpu.memory_space<semaphore_mem>>
        %dma_start3A_104 = arith.constant 0 : i32
        %dma_start3A_105 = arith.constant 0 : i32
        %dma_start3A_106 = tpu.memref_slice %arg13[%dma_start3A_104, %dma_start3A_105] : memref<10240x128xf32, #tpu.memory_space<vmem_shared>> -> memref<10240x128xf32, #tpu.memory_space<vmem_shared>>
        tpu.enqueue_indirect_dma source(%arg12 : memref<120x128xf32, #tpu.memory_space<vmem>>) target(%dma_start3A_106 : memref<10240x128xf32, #tpu.memory_space<vmem_shared>>) offsets(%arg10 : memref<120xi32, #tpu.memory_space<vmem>>) semaphore(%run_scoped3A : memref<!tpu.dma_semaphore, #tpu.memory_space<semaphore_mem>>) {add = true}
        %dma_wait3A_107 = arith.constant 0 : i32
        %dma_wait3A_108 = arith.constant 0 : i32
        %dma_wait3A_109 = tpu.memref_slice %arg13[%dma_wait3A_107, %dma_wait3A_108] : memref<10240x128xf32, #tpu.memory_space<vmem_shared>> -> memref<10240x128xf32, #tpu.memory_space<vmem_shared>>
        tpu.wait_indirect_dma semaphore(%run_scoped3A : memref<!tpu.dma_semaphore, #tpu.memory_space<semaphore_mem>>) src(%arg12 : memref<120x128xf32, #tpu.memory_space<vmem>>) dst(%dma_wait3A_109 : memref<10240x128xf32, #tpu.memory_space<vmem_shared>>)
        tpu.yield
      }) : () -> ()
      %add3A_81 = arith.constant 2 : i32
      %add3A_82 = arith.addi %add3A_52, %add3A_81 : i32
      %min3A_83 = arith.constant 85 : i32
      %min3A_84 = arith.minsi %add3A_82, %min3A_83 : i32
      %mul3A_85 = arith.constant 120 : i32
      %mul3A_86 = arith.muli %min3A_84, %mul3A_85 : i32
      %add3A_87 = arith.addi %mul3A_2, %mul3A_86 : i32
      %multiple_of3A_88 = tpu.assume_multiple %add3A_87, 8 : i32
      %dma_start3A_89 = tpu.memref_slice %arg2[%multiple_of3A_88] : memref<330240xi32, #tpu.memory_space<hbm>> -> memref<120xi32, #tpu.memory_space<hbm>>
      %dma_start3A_90 = tpu.memref_slice %arg2[%multiple_of3A_88] : memref<330240xi32, #tpu.memory_space<hbm>> -> memref<120xi32, #tpu.memory_space<hbm>>
      tpu.enqueue_dma source(%dma_start3A_90 : memref<120xi32, #tpu.memory_space<hbm>>) target(%arg9 : memref<120xi32, #tpu.memory_space<vmem>>) target_semaphore(%arg15 : memref<!tpu.dma_semaphore, #tpu.memory_space<semaphore_mem>>)
      %dma_start3A_91 = tpu.memref_slice %arg3[%multiple_of3A_88] : memref<330240xi32, #tpu.memory_space<hbm>> -> memref<120xi32, #tpu.memory_space<hbm>>
      %dma_start3A_92 = tpu.memref_slice %arg3[%multiple_of3A_88] : memref<330240xi32, #tpu.memory_space<hbm>> -> memref<120xi32, #tpu.memory_space<hbm>>
      tpu.enqueue_dma source(%dma_start3A_92 : memref<120xi32, #tpu.memory_space<hbm>>) target(%arg10 : memref<120xi32, #tpu.memory_space<vmem>>) target_semaphore(%arg15 : memref<!tpu.dma_semaphore, #tpu.memory_space<semaphore_mem>>)
      %mul3A_93 = arith.constant 120 : i32
      %mul3A_94 = arith.muli %min3A_69, %mul3A_93 : i32
      %add3A_95 = arith.addi %mul3A_2, %mul3A_94 : i32
      %multiple_of3A_96 = tpu.assume_multiple %add3A_95, 8 : i32
      %dma_wait3A_97 = tpu.memref_slice %arg2[%multiple_of3A_96] : memref<330240xi32, #tpu.memory_space<hbm>> -> memref<120xi32, #tpu.memory_space<hbm>>
      %dma_wait3A_98 = tpu.memref_slice %arg2[%multiple_of3A_96] : memref<330240xi32, #tpu.memory_space<hbm>> -> memref<120xi32, #tpu.memory_space<hbm>>
      tpu.wait_dma2 semaphore(%arg14 : memref<!tpu.dma_semaphore, #tpu.memory_space<semaphore_mem>>) src(%dma_wait3A_98 : memref<120xi32, #tpu.memory_space<hbm>>) dst(%arg7 : memref<120xi32, #tpu.memory_space<vmem>>)
      %dma_wait3A_99 = tpu.memref_slice %arg3[%multiple_of3A_96] : memref<330240xi32, #tpu.memory_space<hbm>> -> memref<120xi32, #tpu.memory_space<hbm>>
      %dma_wait3A_100 = tpu.memref_slice %arg3[%multiple_of3A_96] : memref<330240xi32, #tpu.memory_space<hbm>> -> memref<120xi32, #tpu.memory_space<hbm>>
      tpu.wait_dma2 semaphore(%arg14 : memref<!tpu.dma_semaphore, #tpu.memory_space<semaphore_mem>>) src(%dma_wait3A_100 : memref<120xi32, #tpu.memory_space<hbm>>) dst(%arg8 : memref<120xi32, #tpu.memory_space<vmem>>)
      %dma_start3A_101 = arith.constant 0 : i32
      %dma_start3A_102 = arith.constant 0 : i32
      %dma_start3A_103 = tpu.memref_slice %arg4[%dma_start3A_101, %dma_start3A_102] : memref<10240x128xf32, #tpu.memory_space<hbm>> -> memref<10240x128xf32, #tpu.memory_space<hbm>>
      tpu.enqueue_indirect_dma source(%dma_start3A_103 : memref<10240x128xf32, #tpu.memory_space<hbm>>) target(%arg11 : memref<120x128xf32, #tpu.memory_space<vmem>>) offsets(%arg7 : memref<120xi32, #tpu.memory_space<vmem>>) semaphore(%arg16 : memref<!tpu.dma_semaphore, #tpu.memory_space<semaphore_mem>>)
    }
    %scan3A_30 = arith.constant 43 : i32
    %dma_wait3A_31 = arith.constant 0 : i32
    %dma_wait3A_32 = arith.constant 0 : i32
    %dma_wait3A_33 = tpu.memref_slice %arg4[%dma_wait3A_31, %dma_wait3A_32] : memref<10240x128xf32, #tpu.memory_space<hbm>> -> memref<10240x128xf32, #tpu.memory_space<hbm>>
    tpu.wait_indirect_dma semaphore(%arg16 : memref<!tpu.dma_semaphore, #tpu.memory_space<semaphore_mem>>) src(%dma_wait3A_33 : memref<10240x128xf32, #tpu.memory_space<hbm>>) dst(%arg11 : memref<120x128xf32, #tpu.memory_space<vmem>>)
    %add3A_34 = arith.constant 10200 : i32
    %add3A_35 = arith.addi %mul3A_2, %add3A_34 : i32
    %multiple_of3A_36 = tpu.assume_multiple %add3A_35, 8 : i32
    %dma_wait3A_37 = tpu.memref_slice %arg2[%multiple_of3A_36] : memref<330240xi32, #tpu.memory_space<hbm>> -> memref<120xi32, #tpu.memory_space<hbm>>
    %dma_wait3A_38 = tpu.memref_slice %arg2[%multiple_of3A_36] : memref<330240xi32, #tpu.memory_space<hbm>> -> memref<120xi32, #tpu.memory_space<hbm>>
    tpu.wait_dma2 semaphore(%arg15 : memref<!tpu.dma_semaphore, #tpu.memory_space<semaphore_mem>>) src(%dma_wait3A_38 : memref<120xi32, #tpu.memory_space<hbm>>) dst(%arg9 : memref<120xi32, #tpu.memory_space<vmem>>)
    %dma_wait3A_39 = tpu.memref_slice %arg3[%multiple_of3A_36] : memref<330240xi32, #tpu.memory_space<hbm>> -> memref<120xi32, #tpu.memory_space<hbm>>
    %dma_wait3A_40 = tpu.memref_slice %arg3[%multiple_of3A_36] : memref<330240xi32, #tpu.memory_space<hbm>> -> memref<120xi32, #tpu.memory_space<hbm>>
    tpu.wait_dma2 semaphore(%arg15 : memref<!tpu.dma_semaphore, #tpu.memory_space<semaphore_mem>>) src(%dma_wait3A_40 : memref<120xi32, #tpu.memory_space<hbm>>) dst(%arg10 : memref<120xi32, #tpu.memory_space<vmem>>)
    %barrier3A_41 = arith.constant 0 : index
    tpu.barrier barrier_id(%barrier3A_41)
    %mul3A_42 = arith.constant 640 : i32
    %mul3A_43 = arith.muli %arg1, %mul3A_42 : i32
    %mul3A_44 = arith.constant 640 : i32
    %mul3A_45 = arith.muli %arg1, %mul3A_44 : i32
    "tpu.region"() ({
      %run_scoped3A = tpu.sem_alloc : memref<!tpu.dma_semaphore, #tpu.memory_space<semaphore_mem>>
      %dma_start3A_46 = arith.constant 0 : i32
      %dma_start3A_47 = tpu.memref_slice %arg6[%arg0, %mul3A_45, %dma_start3A_46] : memref<2x10240x128xf32, #tpu.memory_space<hbm>> -> memref<1x640x128xf32, #tpu.memory_space<hbm>>
      %dma_start3A_48 = tpu.memref_squeeze %dma_start3A_47 : memref<1x640x128xf32, #tpu.memory_space<hbm>> -> memref<640x128xf32, #tpu.memory_space<hbm>>
      %dma_start3A_49 = arith.constant 0 : i32
      %dma_start3A_50 = tpu.memref_slice %arg13[%mul3A_43, %dma_start3A_49] : memref<10240x128xf32, #tpu.memory_space<vmem_shared>> -> memref<640x128xf32, #tpu.memory_space<vmem_shared>>
      tpu.enqueue_dma source(%dma_start3A_50 : memref<640x128xf32, #tpu.memory_space<vmem_shared>>) target(%dma_start3A_48 : memref<640x128xf32, #tpu.memory_space<hbm>>) target_semaphore(%run_scoped3A : memref<!tpu.dma_semaphore, #tpu.memory_space<semaphore_mem>>)
      %dma_wait3A_51 = arith.constant 0 : i32
      %dma_wait3A_52 = tpu.memref_slice %arg6[%arg0, %mul3A_45, %dma_wait3A_51] : memref<2x10240x128xf32, #tpu.memory_space<hbm>> -> memref<1x640x128xf32, #tpu.memory_space<hbm>>
      %dma_wait3A_53 = tpu.memref_squeeze %dma_wait3A_52 : memref<1x640x128xf32, #tpu.memory_space<hbm>> -> memref<640x128xf32, #tpu.memory_space<hbm>>
      %dma_wait3A_54 = arith.constant 0 : i32
      %dma_wait3A_55 = tpu.memref_slice %arg13[%mul3A_43, %dma_wait3A_54] : memref<10240x128xf32, #tpu.memory_space<vmem_shared>> -> memref<640x128xf32, #tpu.memory_space<vmem_shared>>
      tpu.wait_dma2 semaphore(%run_scoped3A : memref<!tpu.dma_semaphore, #tpu.memory_space<semaphore_mem>>) src(%dma_wait3A_55 : memref<640x128xf32, #tpu.memory_space<vmem_shared>>) dst(%dma_wait3A_53 : memref<640x128xf32, #tpu.memory_space<hbm>>)
      tpu.yield
    }) : () -> ()
    return
  }
}

#map = affine_map<(d0, d1) -> (0)>
#map1 = affine_map<(d0, d1) -> (0, 0)>
#map2 = affine_map<(d0, d1) -> (0, 0, 0)>
module attributes {stable_mosaic.version = 14 : i64} {
  func.func @_segsum_cell(%arg0: i32, %arg1: i32, %arg2: memref<330240xi32, #tpu.memory_space<hbm>>, %arg3: memref<330240xi32, #tpu.memory_space<hbm>>, %arg4: memref<10240x128xf32, #tpu.memory_space<hbm>>, %arg5: memref<640x128xf32, #tpu.memory_space<hbm>>, %arg6: memref<2x10240x128xf32, #tpu.memory_space<hbm>>, %arg7: memref<120xi32, #tpu.memory_space<vmem>>, %arg8: memref<120xi32, #tpu.memory_space<vmem>>, %arg9: memref<120xi32, #tpu.memory_space<vmem>>, %arg10: memref<120xi32, #tpu.memory_space<vmem>>, %arg11: memref<120x128xf32, #tpu.memory_space<vmem>>, %arg12: memref<120x128xf32, #tpu.memory_space<vmem>>, %arg13: memref<10240x128xf32, #tpu.memory_space<vmem_shared>>, %arg14: memref<!tpu.dma_semaphore, #tpu.memory_space<semaphore_mem>>, %arg15: memref<!tpu.dma_semaphore, #tpu.memory_space<semaphore_mem>>, %arg16: memref<!tpu.dma_semaphore, #tpu.memory_space<semaphore_mem>>, %arg17: memref<!tpu.dma_semaphore, #tpu.memory_space<semaphore_mem>>) attributes {dimension_semantics = [#tpu.dimension_semantics<core_parallel>, #tpu.dimension_semantics<subcore_parallel>], iteration_bounds = array<i64: 2, 16>, scalar_prefetch = 0 : i64, scratch_operands = 11 : i64, tpu.core_type = #tpu.core_type<sc_vector_subcore>, window_params = [{transform_indices = #map}, {transform_indices = #map}, {transform_indices = #map1}, {transform_indices = #map1}, {transform_indices = #map2}]} {
    %mul3A = arith.constant 2 : i32
    %mul3A_0 = arith.muli %arg1, %mul3A : i32
    %add3A = arith.addi %mul3A_0, %arg0 : i32
    %mul3A_1 = arith.constant 10320 : i32
    %mul3A_2 = arith.muli %add3A, %mul3A_1 : i32
    %add3A_3 = arith.constant 0 : i32
    %add3A_4 = arith.addi %mul3A_2, %add3A_3 : i32
    %multiple_of3A = tpu.assume_multiple %add3A_4, 8 : i32
    %dma_start3A = tpu.memref_slice %arg2[%multiple_of3A] : memref<330240xi32, #tpu.memory_space<hbm>> -> memref<120xi32, #tpu.memory_space<hbm>>
    %dma_start3A_5 = tpu.memref_slice %arg2[%multiple_of3A] : memref<330240xi32, #tpu.memory_space<hbm>> -> memref<120xi32, #tpu.memory_space<hbm>>
    tpu.enqueue_dma source(%dma_start3A_5 : memref<120xi32, #tpu.memory_space<hbm>>) target(%arg7 : memref<120xi32, #tpu.memory_space<vmem>>) target_semaphore(%arg14 : memref<!tpu.dma_semaphore, #tpu.memory_space<semaphore_mem>>)
    %dma_start3A_6 = tpu.memref_slice %arg3[%multiple_of3A] : memref<330240xi32, #tpu.memory_space<hbm>> -> memref<120xi32, #tpu.memory_space<hbm>>
    %dma_start3A_7 = tpu.memref_slice %arg3[%multiple_of3A] : memref<330240xi32, #tpu.memory_space<hbm>> -> memref<120xi32, #tpu.memory_space<hbm>>
    tpu.enqueue_dma source(%dma_start3A_7 : memref<120xi32, #tpu.memory_space<hbm>>) target(%arg8 : memref<120xi32, #tpu.memory_space<vmem>>) target_semaphore(%arg14 : memref<!tpu.dma_semaphore, #tpu.memory_space<semaphore_mem>>)
    %add3A_8 = arith.constant 120 : i32
    %add3A_9 = arith.addi %mul3A_2, %add3A_8 : i32
    %multiple_of3A_10 = tpu.assume_multiple %add3A_9, 8 : i32
    %dma_start3A_11 = tpu.memref_slice %arg2[%multiple_of3A_10] : memref<330240xi32, #tpu.memory_space<hbm>> -> memref<120xi32, #tpu.memory_space<hbm>>
    %dma_start3A_12 = tpu.memref_slice %arg2[%multiple_of3A_10] : memref<330240xi32, #tpu.memory_space<hbm>> -> memref<120xi32, #tpu.memory_space<hbm>>
    tpu.enqueue_dma source(%dma_start3A_12 : memref<120xi32, #tpu.memory_space<hbm>>) target(%arg9 : memref<120xi32, #tpu.memory_space<vmem>>) target_semaphore(%arg15 : memref<!tpu.dma_semaphore, #tpu.memory_space<semaphore_mem>>)
    %dma_start3A_13 = tpu.memref_slice %arg3[%multiple_of3A_10] : memref<330240xi32, #tpu.memory_space<hbm>> -> memref<120xi32, #tpu.memory_space<hbm>>
    %dma_start3A_14 = tpu.memref_slice %arg3[%multiple_of3A_10] : memref<330240xi32, #tpu.memory_space<hbm>> -> memref<120xi32, #tpu.memory_space<hbm>>
    tpu.enqueue_dma source(%dma_start3A_14 : memref<120xi32, #tpu.memory_space<hbm>>) target(%arg10 : memref<120xi32, #tpu.memory_space<vmem>>) target_semaphore(%arg15 : memref<!tpu.dma_semaphore, #tpu.memory_space<semaphore_mem>>)
    %mul3A_15 = arith.constant 640 : i32
    %mul3A_16 = arith.muli %arg1, %mul3A_15 : i32
    "tpu.region"() ({
      %run_scoped3A = tpu.sem_alloc : memref<!tpu.dma_semaphore, #tpu.memory_space<semaphore_mem>>
      %dma_start3A_46 = arith.constant 0 : i32
      %dma_start3A_47 = tpu.memref_slice %arg13[%mul3A_16, %dma_start3A_46] : memref<10240x128xf32, #tpu.memory_space<vmem_shared>> -> memref<640x128xf32, #tpu.memory_space<vmem_shared>>
      tpu.enqueue_dma source(%arg5 : memref<640x128xf32, #tpu.memory_space<hbm>>) target(%dma_start3A_47 : memref<640x128xf32, #tpu.memory_space<vmem_shared>>) target_semaphore(%run_scoped3A : memref<!tpu.dma_semaphore, #tpu.memory_space<semaphore_mem>>)
      %dma_wait3A_48 = arith.constant 0 : i32
      %dma_wait3A_49 = tpu.memref_slice %arg13[%mul3A_16, %dma_wait3A_48] : memref<10240x128xf32, #tpu.memory_space<vmem_shared>> -> memref<640x128xf32, #tpu.memory_space<vmem_shared>>
      tpu.wait_dma2 semaphore(%run_scoped3A : memref<!tpu.dma_semaphore, #tpu.memory_space<semaphore_mem>>) src(%arg5 : memref<640x128xf32, #tpu.memory_space<hbm>>) dst(%dma_wait3A_49 : memref<640x128xf32, #tpu.memory_space<vmem_shared>>)
      tpu.yield
    }) : () -> ()
    %barrier3A = arith.constant 0 : index
    tpu.barrier barrier_id(%barrier3A)
    %add3A_17 = arith.constant 0 : i32
    %add3A_18 = arith.addi %mul3A_2, %add3A_17 : i32
    %multiple_of3A_19 = tpu.assume_multiple %add3A_18, 8 : i32
    %dma_wait3A = tpu.memref_slice %arg2[%multiple_of3A_19] : memref<330240xi32, #tpu.memory_space<hbm>> -> memref<120xi32, #tpu.memory_space<hbm>>
    %dma_wait3A_20 = tpu.memref_slice %arg2[%multiple_of3A_19] : memref<330240xi32, #tpu.memory_space<hbm>> -> memref<120xi32, #tpu.memory_space<hbm>>
    tpu.wait_dma2 semaphore(%arg14 : memref<!tpu.dma_semaphore, #tpu.memory_space<semaphore_mem>>) src(%dma_wait3A_20 : memref<120xi32, #tpu.memory_space<hbm>>) dst(%arg7 : memref<120xi32, #tpu.memory_space<vmem>>)
    %dma_wait3A_21 = tpu.memref_slice %arg3[%multiple_of3A_19] : memref<330240xi32, #tpu.memory_space<hbm>> -> memref<120xi32, #tpu.memory_space<hbm>>
    %dma_wait3A_22 = tpu.memref_slice %arg3[%multiple_of3A_19] : memref<330240xi32, #tpu.memory_space<hbm>> -> memref<120xi32, #tpu.memory_space<hbm>>
    tpu.wait_dma2 semaphore(%arg14 : memref<!tpu.dma_semaphore, #tpu.memory_space<semaphore_mem>>) src(%dma_wait3A_22 : memref<120xi32, #tpu.memory_space<hbm>>) dst(%arg8 : memref<120xi32, #tpu.memory_space<vmem>>)
    %dma_start3A_23 = arith.constant 0 : i32
    %dma_start3A_24 = arith.constant 0 : i32
    %dma_start3A_25 = tpu.memref_slice %arg4[%dma_start3A_23, %dma_start3A_24] : memref<10240x128xf32, #tpu.memory_space<hbm>> -> memref<10240x128xf32, #tpu.memory_space<hbm>>
    tpu.enqueue_indirect_dma source(%dma_start3A_25 : memref<10240x128xf32, #tpu.memory_space<hbm>>) target(%arg11 : memref<120x128xf32, #tpu.memory_space<vmem>>) offsets(%arg7 : memref<120xi32, #tpu.memory_space<vmem>>) semaphore(%arg16 : memref<!tpu.dma_semaphore, #tpu.memory_space<semaphore_mem>>)
    %scan3A = arith.constant 0 : i32
    %scan3A_26 = arith.constant 0 : i32
    %scan3A_27 = arith.constant 43 : i32
    %scan3A_28 = arith.addi %scan3A_26, %scan3A_27 : i32
    %scan3A_29 = arith.constant 1 : i32
    scf.for %scan3A_46 = %scan3A_26 to %scan3A_28 step %scan3A_29  : i32 {
      %mul3A_47 = arith.constant 2 : i32
      %mul3A_48 = arith.muli %mul3A_47, %scan3A_46 : i32
      %mul3A_49 = arith.constant 2 : i32
      %mul3A_50 = arith.muli %mul3A_49, %scan3A_46 : i32
      %add3A_51 = arith.constant 1 : i32
      %add3A_52 = arith.addi %mul3A_50, %add3A_51 : i32
      %mul3A_53 = arith.constant 120 : i32
      %mul3A_54 = arith.muli %add3A_52, %mul3A_53 : i32
      %add3A_55 = arith.addi %mul3A_2, %mul3A_54 : i32
      %multiple_of3A_56 = tpu.assume_multiple %add3A_55, 8 : i32
      %dma_wait3A_57 = tpu.memref_slice %arg2[%multiple_of3A_56] : memref<330240xi32, #tpu.memory_space<hbm>> -> memref<120xi32, #tpu.memory_space<hbm>>
      %dma_wait3A_58 = tpu.memref_slice %arg2[%multiple_of3A_56] : memref<330240xi32, #tpu.memory_space<hbm>> -> memref<120xi32, #tpu.memory_space<hbm>>
      tpu.wait_dma2 semaphore(%arg15 : memref<!tpu.dma_semaphore, #tpu.memory_space<semaphore_mem>>) src(%dma_wait3A_58 : memref<120xi32, #tpu.memory_space<hbm>>) dst(%arg9 : memref<120xi32, #tpu.memory_space<vmem>>)
      %dma_wait3A_59 = tpu.memref_slice %arg3[%multiple_of3A_56] : memref<330240xi32, #tpu.memory_space<hbm>> -> memref<120xi32, #tpu.memory_space<hbm>>
      %dma_wait3A_60 = tpu.memref_slice %arg3[%multiple_of3A_56] : memref<330240xi32, #tpu.memory_space<hbm>> -> memref<120xi32, #tpu.memory_space<hbm>>
      tpu.wait_dma2 semaphore(%arg15 : memref<!tpu.dma_semaphore, #tpu.memory_space<semaphore_mem>>) src(%dma_wait3A_60 : memref<120xi32, #tpu.memory_space<hbm>>) dst(%arg10 : memref<120xi32, #tpu.memory_space<vmem>>)
      %dma_start3A_61 = arith.constant 0 : i32
      %dma_start3A_62 = arith.constant 0 : i32
      %dma_start3A_63 = tpu.memref_slice %arg4[%dma_start3A_61, %dma_start3A_62] : memref<10240x128xf32, #tpu.memory_space<hbm>> -> memref<10240x128xf32, #tpu.memory_space<hbm>>
      tpu.enqueue_indirect_dma source(%dma_start3A_63 : memref<10240x128xf32, #tpu.memory_space<hbm>>) target(%arg12 : memref<120x128xf32, #tpu.memory_space<vmem>>) offsets(%arg9 : memref<120xi32, #tpu.memory_space<vmem>>) semaphore(%arg17 : memref<!tpu.dma_semaphore, #tpu.memory_space<semaphore_mem>>)
      %dma_wait3A_64 = arith.constant 0 : i32
      %dma_wait3A_65 = arith.constant 0 : i32
      %dma_wait3A_66 = tpu.memref_slice %arg4[%dma_wait3A_64, %dma_wait3A_65] : memref<10240x128xf32, #tpu.memory_space<hbm>> -> memref<10240x128xf32, #tpu.memory_space<hbm>>
      tpu.wait_indirect_dma semaphore(%arg16 : memref<!tpu.dma_semaphore, #tpu.memory_space<semaphore_mem>>) src(%dma_wait3A_66 : memref<10240x128xf32, #tpu.memory_space<hbm>>) dst(%arg11 : memref<120x128xf32, #tpu.memory_space<vmem>>)
      "tpu.region"() ({
        %run_scoped3A = tpu.sem_alloc : memref<!tpu.dma_semaphore, #tpu.memory_space<semaphore_mem>>
        %dma_start3A_104 = arith.constant 0 : i32
        %dma_start3A_105 = arith.constant 0 : i32
        %dma_start3A_106 = tpu.memref_slice %arg13[%dma_start3A_104, %dma_start3A_105] : memref<10240x128xf32, #tpu.memory_space<vmem_shared>> -> memref<10240x128xf32, #tpu.memory_space<vmem_shared>>
        tpu.enqueue_indirect_dma source(%arg11 : memref<120x128xf32, #tpu.memory_space<vmem>>) target(%dma_start3A_106 : memref<10240x128xf32, #tpu.memory_space<vmem_shared>>) offsets(%arg8 : memref<120xi32, #tpu.memory_space<vmem>>) semaphore(%run_scoped3A : memref<!tpu.dma_semaphore, #tpu.memory_space<semaphore_mem>>) {add = true}
        %dma_wait3A_107 = arith.constant 0 : i32
        %dma_wait3A_108 = arith.constant 0 : i32
        %dma_wait3A_109 = tpu.memref_slice %arg13[%dma_wait3A_107, %dma_wait3A_108] : memref<10240x128xf32, #tpu.memory_space<vmem_shared>> -> memref<10240x128xf32, #tpu.memory_space<vmem_shared>>
        tpu.wait_indirect_dma semaphore(%run_scoped3A : memref<!tpu.dma_semaphore, #tpu.memory_space<semaphore_mem>>) src(%arg11 : memref<120x128xf32, #tpu.memory_space<vmem>>) dst(%dma_wait3A_109 : memref<10240x128xf32, #tpu.memory_space<vmem_shared>>)
        tpu.yield
      }) : () -> ()
      %add3A_67 = arith.constant 2 : i32
      %add3A_68 = arith.addi %mul3A_48, %add3A_67 : i32
      %min3A = arith.constant 85 : i32
      %min3A_69 = arith.minsi %add3A_68, %min3A : i32
      %mul3A_70 = arith.constant 120 : i32
      %mul3A_71 = arith.muli %min3A_69, %mul3A_70 : i32
      %add3A_72 = arith.addi %mul3A_2, %mul3A_71 : i32
      %multiple_of3A_73 = tpu.assume_multiple %add3A_72, 8 : i32
      %dma_start3A_74 = tpu.memref_slice %arg2[%multiple_of3A_73] : memref<330240xi32, #tpu.memory_space<hbm>> -> memref<120xi32, #tpu.memory_space<hbm>>
      %dma_start3A_75 = tpu.memref_slice %arg2[%multiple_of3A_73] : memref<330240xi32, #tpu.memory_space<hbm>> -> memref<120xi32, #tpu.memory_space<hbm>>
      tpu.enqueue_dma source(%dma_start3A_75 : memref<120xi32, #tpu.memory_space<hbm>>) target(%arg7 : memref<120xi32, #tpu.memory_space<vmem>>) target_semaphore(%arg14 : memref<!tpu.dma_semaphore, #tpu.memory_space<semaphore_mem>>)
      %dma_start3A_76 = tpu.memref_slice %arg3[%multiple_of3A_73] : memref<330240xi32, #tpu.memory_space<hbm>> -> memref<120xi32, #tpu.memory_space<hbm>>
      %dma_start3A_77 = tpu.memref_slice %arg3[%multiple_of3A_73] : memref<330240xi32, #tpu.memory_space<hbm>> -> memref<120xi32, #tpu.memory_space<hbm>>
      tpu.enqueue_dma source(%dma_start3A_77 : memref<120xi32, #tpu.memory_space<hbm>>) target(%arg8 : memref<120xi32, #tpu.memory_space<vmem>>) target_semaphore(%arg14 : memref<!tpu.dma_semaphore, #tpu.memory_space<semaphore_mem>>)
      %dma_wait3A_78 = arith.constant 0 : i32
      %dma_wait3A_79 = arith.constant 0 : i32
      %dma_wait3A_80 = tpu.memref_slice %arg4[%dma_wait3A_78, %dma_wait3A_79] : memref<10240x128xf32, #tpu.memory_space<hbm>> -> memref<10240x128xf32, #tpu.memory_space<hbm>>
      tpu.wait_indirect_dma semaphore(%arg17 : memref<!tpu.dma_semaphore, #tpu.memory_space<semaphore_mem>>) src(%dma_wait3A_80 : memref<10240x128xf32, #tpu.memory_space<hbm>>) dst(%arg12 : memref<120x128xf32, #tpu.memory_space<vmem>>)
      "tpu.region"() ({
        %run_scoped3A = tpu.sem_alloc : memref<!tpu.dma_semaphore, #tpu.memory_space<semaphore_mem>>
        %dma_start3A_104 = arith.constant 0 : i32
        %dma_start3A_105 = arith.constant 0 : i32
        %dma_start3A_106 = tpu.memref_slice %arg13[%dma_start3A_104, %dma_start3A_105] : memref<10240x128xf32, #tpu.memory_space<vmem_shared>> -> memref<10240x128xf32, #tpu.memory_space<vmem_shared>>
        tpu.enqueue_indirect_dma source(%arg12 : memref<120x128xf32, #tpu.memory_space<vmem>>) target(%dma_start3A_106 : memref<10240x128xf32, #tpu.memory_space<vmem_shared>>) offsets(%arg10 : memref<120xi32, #tpu.memory_space<vmem>>) semaphore(%run_scoped3A : memref<!tpu.dma_semaphore, #tpu.memory_space<semaphore_mem>>) {add = true}
        %dma_wait3A_107 = arith.constant 0 : i32
        %dma_wait3A_108 = arith.constant 0 : i32
        %dma_wait3A_109 = tpu.memref_slice %arg13[%dma_wait3A_107, %dma_wait3A_108] : memref<10240x128xf32, #tpu.memory_space<vmem_shared>> -> memref<10240x128xf32, #tpu.memory_space<vmem_shared>>
        tpu.wait_indirect_dma semaphore(%run_scoped3A : memref<!tpu.dma_semaphore, #tpu.memory_space<semaphore_mem>>) src(%arg12 : memref<120x128xf32, #tpu.memory_space<vmem>>) dst(%dma_wait3A_109 : memref<10240x128xf32, #tpu.memory_space<vmem_shared>>)
        tpu.yield
      }) : () -> ()
      %add3A_81 = arith.constant 2 : i32
      %add3A_82 = arith.addi %add3A_52, %add3A_81 : i32
      %min3A_83 = arith.constant 85 : i32
      %min3A_84 = arith.minsi %add3A_82, %min3A_83 : i32
      %mul3A_85 = arith.constant 120 : i32
      %mul3A_86 = arith.muli %min3A_84, %mul3A_85 : i32
      %add3A_87 = arith.addi %mul3A_2, %mul3A_86 : i32
      %multiple_of3A_88 = tpu.assume_multiple %add3A_87, 8 : i32
      %dma_start3A_89 = tpu.memref_slice %arg2[%multiple_of3A_88] : memref<330240xi32, #tpu.memory_space<hbm>> -> memref<120xi32, #tpu.memory_space<hbm>>
      %dma_start3A_90 = tpu.memref_slice %arg2[%multiple_of3A_88] : memref<330240xi32, #tpu.memory_space<hbm>> -> memref<120xi32, #tpu.memory_space<hbm>>
      tpu.enqueue_dma source(%dma_start3A_90 : memref<120xi32, #tpu.memory_space<hbm>>) target(%arg9 : memref<120xi32, #tpu.memory_space<vmem>>) target_semaphore(%arg15 : memref<!tpu.dma_semaphore, #tpu.memory_space<semaphore_mem>>)
      %dma_start3A_91 = tpu.memref_slice %arg3[%multiple_of3A_88] : memref<330240xi32, #tpu.memory_space<hbm>> -> memref<120xi32, #tpu.memory_space<hbm>>
      %dma_start3A_92 = tpu.memref_slice %arg3[%multiple_of3A_88] : memref<330240xi32, #tpu.memory_space<hbm>> -> memref<120xi32, #tpu.memory_space<hbm>>
      tpu.enqueue_dma source(%dma_start3A_92 : memref<120xi32, #tpu.memory_space<hbm>>) target(%arg10 : memref<120xi32, #tpu.memory_space<vmem>>) target_semaphore(%arg15 : memref<!tpu.dma_semaphore, #tpu.memory_space<semaphore_mem>>)
      %mul3A_93 = arith.constant 120 : i32
      %mul3A_94 = arith.muli %min3A_69, %mul3A_93 : i32
      %add3A_95 = arith.addi %mul3A_2, %mul3A_94 : i32
      %multiple_of3A_96 = tpu.assume_multiple %add3A_95, 8 : i32
      %dma_wait3A_97 = tpu.memref_slice %arg2[%multiple_of3A_96] : memref<330240xi32, #tpu.memory_space<hbm>> -> memref<120xi32, #tpu.memory_space<hbm>>
      %dma_wait3A_98 = tpu.memref_slice %arg2[%multiple_of3A_96] : memref<330240xi32, #tpu.memory_space<hbm>> -> memref<120xi32, #tpu.memory_space<hbm>>
      tpu.wait_dma2 semaphore(%arg14 : memref<!tpu.dma_semaphore, #tpu.memory_space<semaphore_mem>>) src(%dma_wait3A_98 : memref<120xi32, #tpu.memory_space<hbm>>) dst(%arg7 : memref<120xi32, #tpu.memory_space<vmem>>)
      %dma_wait3A_99 = tpu.memref_slice %arg3[%multiple_of3A_96] : memref<330240xi32, #tpu.memory_space<hbm>> -> memref<120xi32, #tpu.memory_space<hbm>>
      %dma_wait3A_100 = tpu.memref_slice %arg3[%multiple_of3A_96] : memref<330240xi32, #tpu.memory_space<hbm>> -> memref<120xi32, #tpu.memory_space<hbm>>
      tpu.wait_dma2 semaphore(%arg14 : memref<!tpu.dma_semaphore, #tpu.memory_space<semaphore_mem>>) src(%dma_wait3A_100 : memref<120xi32, #tpu.memory_space<hbm>>) dst(%arg8 : memref<120xi32, #tpu.memory_space<vmem>>)
      %dma_start3A_101 = arith.constant 0 : i32
      %dma_start3A_102 = arith.constant 0 : i32
      %dma_start3A_103 = tpu.memref_slice %arg4[%dma_start3A_101, %dma_start3A_102] : memref<10240x128xf32, #tpu.memory_space<hbm>> -> memref<10240x128xf32, #tpu.memory_space<hbm>>
      tpu.enqueue_indirect_dma source(%dma_start3A_103 : memref<10240x128xf32, #tpu.memory_space<hbm>>) target(%arg11 : memref<120x128xf32, #tpu.memory_space<vmem>>) offsets(%arg7 : memref<120xi32, #tpu.memory_space<vmem>>) semaphore(%arg16 : memref<!tpu.dma_semaphore, #tpu.memory_space<semaphore_mem>>)
    }
    %scan3A_30 = arith.constant 43 : i32
    %dma_wait3A_31 = arith.constant 0 : i32
    %dma_wait3A_32 = arith.constant 0 : i32
    %dma_wait3A_33 = tpu.memref_slice %arg4[%dma_wait3A_31, %dma_wait3A_32] : memref<10240x128xf32, #tpu.memory_space<hbm>> -> memref<10240x128xf32, #tpu.memory_space<hbm>>
    tpu.wait_indirect_dma semaphore(%arg16 : memref<!tpu.dma_semaphore, #tpu.memory_space<semaphore_mem>>) src(%dma_wait3A_33 : memref<10240x128xf32, #tpu.memory_space<hbm>>) dst(%arg11 : memref<120x128xf32, #tpu.memory_space<vmem>>)
    %add3A_34 = arith.constant 10200 : i32
    %add3A_35 = arith.addi %mul3A_2, %add3A_34 : i32
    %multiple_of3A_36 = tpu.assume_multiple %add3A_35, 8 : i32
    %dma_wait3A_37 = tpu.memref_slice %arg2[%multiple_of3A_36] : memref<330240xi32, #tpu.memory_space<hbm>> -> memref<120xi32, #tpu.memory_space<hbm>>
    %dma_wait3A_38 = tpu.memref_slice %arg2[%multiple_of3A_36] : memref<330240xi32, #tpu.memory_space<hbm>> -> memref<120xi32, #tpu.memory_space<hbm>>
    tpu.wait_dma2 semaphore(%arg15 : memref<!tpu.dma_semaphore, #tpu.memory_space<semaphore_mem>>) src(%dma_wait3A_38 : memref<120xi32, #tpu.memory_space<hbm>>) dst(%arg9 : memref<120xi32, #tpu.memory_space<vmem>>)
    %dma_wait3A_39 = tpu.memref_slice %arg3[%multiple_of3A_36] : memref<330240xi32, #tpu.memory_space<hbm>> -> memref<120xi32, #tpu.memory_space<hbm>>
    %dma_wait3A_40 = tpu.memref_slice %arg3[%multiple_of3A_36] : memref<330240xi32, #tpu.memory_space<hbm>> -> memref<120xi32, #tpu.memory_space<hbm>>
    tpu.wait_dma2 semaphore(%arg15 : memref<!tpu.dma_semaphore, #tpu.memory_space<semaphore_mem>>) src(%dma_wait3A_40 : memref<120xi32, #tpu.memory_space<hbm>>) dst(%arg10 : memref<120xi32, #tpu.memory_space<vmem>>)
    %barrier3A_41 = arith.constant 0 : index
    tpu.barrier barrier_id(%barrier3A_41)
    %mul3A_42 = arith.constant 640 : i32
    %mul3A_43 = arith.muli %arg1, %mul3A_42 : i32
    %mul3A_44 = arith.constant 640 : i32
    %mul3A_45 = arith.muli %arg1, %mul3A_44 : i32
    "tpu.region"() ({
      %run_scoped3A = tpu.sem_alloc : memref<!tpu.dma_semaphore, #tpu.memory_space<semaphore_mem>>
      %dma_start3A_46 = arith.constant 0 : i32
      %dma_start3A_47 = tpu.memref_slice %arg6[%arg0, %mul3A_45, %dma_start3A_46] : memref<2x10240x128xf32, #tpu.memory_space<hbm>> -> memref<1x640x128xf32, #tpu.memory_space<hbm>>
      %dma_start3A_48 = tpu.memref_squeeze %dma_start3A_47 : memref<1x640x128xf32, #tpu.memory_space<hbm>> -> memref<640x128xf32, #tpu.memory_space<hbm>>
      %dma_start3A_49 = arith.constant 0 : i32
      %dma_start3A_50 = tpu.memref_slice %arg13[%mul3A_43, %dma_start3A_49] : memref<10240x128xf32, #tpu.memory_space<vmem_shared>> -> memref<640x128xf32, #tpu.memory_space<vmem_shared>>
      tpu.enqueue_dma source(%dma_start3A_50 : memref<640x128xf32, #tpu.memory_space<vmem_shared>>) target(%dma_start3A_48 : memref<640x128xf32, #tpu.memory_space<hbm>>) target_semaphore(%run_scoped3A : memref<!tpu.dma_semaphore, #tpu.memory_space<semaphore_mem>>)
      %dma_wait3A_51 = arith.constant 0 : i32
      %dma_wait3A_52 = tpu.memref_slice %arg6[%arg0, %mul3A_45, %dma_wait3A_51] : memref<2x10240x128xf32, #tpu.memory_space<hbm>> -> memref<1x640x128xf32, #tpu.memory_space<hbm>>
      %dma_wait3A_53 = tpu.memref_squeeze %dma_wait3A_52 : memref<1x640x128xf32, #tpu.memory_space<hbm>> -> memref<640x128xf32, #tpu.memory_space<hbm>>
      %dma_wait3A_54 = arith.constant 0 : i32
      %dma_wait3A_55 = tpu.memref_slice %arg13[%mul3A_43, %dma_wait3A_54] : memref<10240x128xf32, #tpu.memory_space<vmem_shared>> -> memref<640x128xf32, #tpu.memory_space<vmem_shared>>
      tpu.wait_dma2 semaphore(%run_scoped3A : memref<!tpu.dma_semaphore, #tpu.memory_space<semaphore_mem>>) src(%dma_wait3A_55 : memref<640x128xf32, #tpu.memory_space<vmem_shared>>) dst(%dma_wait3A_53 : memref<640x128xf32, #tpu.memory_space<hbm>>)
      tpu.yield
    }) : () -> ()
    return
  }
}

module attributes {stable_mosaic.version = 14 : i64} {
  func.func @_gin_body(%arg0: i32, %arg1: memref<2048x128xf32, #tpu.memory_space<vmem>>, %arg2: memref<2x2048x128xf32, #tpu.memory_space<vmem>>, %arg3: memref<128x128xf32, #tpu.memory_space<vmem>>, %arg4: memref<1x128xf32, #tpu.memory_space<vmem>>, %arg5: memref<128x128xf32, #tpu.memory_space<vmem>>, %arg6: memref<1x128xf32, #tpu.memory_space<vmem>>, %arg7: memref<2048x128xf32, #tpu.memory_space<vmem>>) attributes {dimension_semantics = [#tpu.dimension_semantics<arbitrary>], iteration_bounds = array<i64: 5>, scalar_prefetch = 0 : i64, scratch_operands = 0 : i64, tpu.core_type = #tpu.core_type<tc>, window_params = [{transform_indices = @transform_0, window_bounds = array<i64: 2048, 128>}, {transform_indices = @transform_1, window_bounds = array<i64: 2, 2048, 128>}, {pipeline_mode = #tpu.pipeline_mode<synchronous>, transform_indices = @transform_2, window_bounds = array<i64: 128, 128>}, {pipeline_mode = #tpu.pipeline_mode<synchronous>, transform_indices = @transform_3, window_bounds = array<i64: 1, 128>}, {pipeline_mode = #tpu.pipeline_mode<synchronous>, transform_indices = @transform_4, window_bounds = array<i64: 128, 128>}, {pipeline_mode = #tpu.pipeline_mode<synchronous>, transform_indices = @transform_5, window_bounds = array<i64: 1, 128>}, {transform_indices = @transform_6, window_bounds = array<i64: 2048, 128>}]} {
    %get3A = arith.constant 0 : index
    %get3A_0 = arith.constant 0 : index
    %get3A_1 = vector.load %arg1[%get3A, %get3A_0] : memref<2048x128xf32, #tpu.memory_space<vmem>>, vector<2048x128xf32>
    %get3A_2 = arith.constant 0 : index
    %get3A_3 = arith.constant 0 : index
    %get3A_4 = arith.constant 0 : index
    %get3A_5 = vector.load %arg2[%get3A_2, %get3A_3, %get3A_4] : memref<2x2048x128xf32, #tpu.memory_space<vmem>>, vector<1x2048x128xf32>
    %get3A_6 = vector.shape_cast %get3A_5 : vector<1x2048x128xf32> to vector<2048x128xf32>
    %add3A = arith.addf %get3A_1, %get3A_6 : vector<2048x128xf32>
    %get3A_7 = arith.constant 1 : index
    %get3A_8 = arith.constant 0 : index
    %get3A_9 = arith.constant 0 : index
    %get3A_10 = vector.load %arg2[%get3A_7, %get3A_8, %get3A_9] : memref<2x2048x128xf32, #tpu.memory_space<vmem>>, vector<1x2048x128xf32>
    %get3A_11 = vector.shape_cast %get3A_10 : vector<1x2048x128xf32> to vector<2048x128xf32>
    %add3A_12 = arith.addf %add3A, %get3A_11 : vector<2048x128xf32>
    %get3A_13 = arith.constant 0 : index
    %get3A_14 = arith.constant 0 : index
    %get3A_15 = vector.load %arg3[%get3A_13, %get3A_14] : memref<128x128xf32, #tpu.memory_space<vmem>>, vector<128x128xf32>
    %dot_general3A = arith.constant dense<0.000000e+00> : vector<2048x128xf32>
    %dot_general3A_16 = tpu.matmul %add3A_12, %get3A_15, %dot_general3A {dimension_numbers = #tpu.dot_dimension_numbers<[1], [0], [0], [1], [0, 0, 1, 1], [], []>, transpose_lhs_hint = false} : vector<2048x128xf32>, vector<128x128xf32>, vector<2048x128xf32> -> vector<2048x128xf32>
    %get3A_17 = arith.constant 0 : index
    %get3A_18 = arith.constant 0 : index
    %get3A_19 = vector.load %arg4[%get3A_17, %get3A_18] : memref<1x128xf32, #tpu.memory_space<vmem>>, vector<1x128xf32>
    %add3A_20 = vector.broadcast %get3A_19 : vector<1x128xf32> to vector<2048x128xf32>
    %add3A_21 = arith.addf %dot_general3A_16, %add3A_20 : vector<2048x128xf32>
    %max3A = arith.constant 0.000000e+00 : f32
    %max3A_22 = vector.broadcast %max3A : f32 to vector<2048x128xf32>
    %max3A_23 = arith.maximumf %add3A_21, %max3A_22 : vector<2048x128xf32>
    %get3A_24 = arith.constant 0 : index
    %get3A_25 = arith.constant 0 : index
    %get3A_26 = vector.load %arg5[%get3A_24, %get3A_25] : memref<128x128xf32, #tpu.memory_space<vmem>>, vector<128x128xf32>
    %dot_general3A_27 = arith.constant dense<0.000000e+00> : vector<2048x128xf32>
    %dot_general3A_28 = tpu.matmul %max3A_23, %get3A_26, %dot_general3A_27 {dimension_numbers = #tpu.dot_dimension_numbers<[1], [0], [0], [1], [0, 0, 1, 1], [], []>, transpose_lhs_hint = false} : vector<2048x128xf32>, vector<128x128xf32>, vector<2048x128xf32> -> vector<2048x128xf32>
    %get3A_29 = arith.constant 0 : index
    %get3A_30 = arith.constant 0 : index
    %get3A_31 = vector.load %arg6[%get3A_29, %get3A_30] : memref<1x128xf32, #tpu.memory_space<vmem>>, vector<1x128xf32>
    %add3A_32 = vector.broadcast %get3A_31 : vector<1x128xf32> to vector<2048x128xf32>
    %add3A_33 = arith.addf %dot_general3A_28, %add3A_32 : vector<2048x128xf32>
    %max3A_34 = arith.constant 0.000000e+00 : f32
    %max3A_35 = vector.broadcast %max3A_34 : f32 to vector<2048x128xf32>
    %max3A_36 = arith.maximumf %add3A_33, %max3A_35 : vector<2048x128xf32>
    %swap3A = arith.constant 0 : index
    %swap3A_37 = arith.constant 0 : index
    %swap3A_38 = vector.load %arg7[%swap3A, %swap3A_37] : memref<2048x128xf32, #tpu.memory_space<vmem>>, vector<2048x128xf32>
    tpu.vector_store %arg7[%swap3A, %swap3A_37], %max3A_36 {strides = array<i32>} : memref<2048x128xf32, #tpu.memory_space<vmem>>, vector<2048x128xf32>,
    return
  }
  func.func @transform_0(%arg0: i32) -> (i32, i32) {
    %c0_i32 = arith.constant 0 : i32
    %c0_i32_0 = arith.constant 0 : i32
    return %arg0, %c0_i32 : i32, i32
  }
  func.func @transform_1(%arg0: i32) -> (i32, i32, i32) {
    %c0_i32 = arith.constant 0 : i32
    %c0_i32_0 = arith.constant 0 : i32
    %c0_i32_1 = arith.constant 0 : i32
    return %c0_i32, %arg0, %c0_i32_0 : i32, i32, i32
  }
  func.func @transform_2(%arg0: i32) -> (i32, i32) {
    %c0_i32 = arith.constant 0 : i32
    %c0_i32_0 = arith.constant 0 : i32
    %c0_i32_1 = arith.constant 0 : i32
    return %c0_i32, %c0_i32_0 : i32, i32
  }
  func.func @transform_3(%arg0: i32) -> (i32, i32) {
    %c0_i32 = arith.constant 0 : i32
    %c0_i32_0 = arith.constant 0 : i32
    %c0_i32_1 = arith.constant 0 : i32
    return %c0_i32, %c0_i32_0 : i32, i32
  }
  func.func @transform_4(%arg0: i32) -> (i32, i32) {
    %c0_i32 = arith.constant 0 : i32
    %c0_i32_0 = arith.constant 0 : i32
    %c0_i32_1 = arith.constant 0 : i32
    return %c0_i32, %c0_i32_0 : i32, i32
  }
  func.func @transform_5(%arg0: i32) -> (i32, i32) {
    %c0_i32 = arith.constant 0 : i32
    %c0_i32_0 = arith.constant 0 : i32
    %c0_i32_1 = arith.constant 0 : i32
    return %c0_i32, %c0_i32_0 : i32, i32
  }
  func.func @transform_6(%arg0: i32) -> (i32, i32) {
    %c0_i32 = arith.constant 0 : i32
    %c0_i32_0 = arith.constant 0 : i32
    return %arg0, %c0_i32 : i32, i32
  }
}

module attributes {stable_mosaic.version = 14 : i64} {
  func.func @_at_body(%arg0: i32, %arg1: memref<1x1x1024xi32, #tpu.memory_space<vmem>>, %arg2: memref<1x1x1024xi32, #tpu.memory_space<vmem>>, %arg3: memref<512x512xf32, #tpu.memory_space<vmem>>) attributes {dimension_semantics = [#tpu.dimension_semantics<arbitrary>], iteration_bounds = array<i64: 4>, scalar_prefetch = 0 : i64, scratch_operands = 0 : i64, tpu.core_type = #tpu.core_type<tc>, window_params = [{transform_indices = @transform_0, window_bounds = array<i64: 1, 1, 1024>}, {transform_indices = @transform_1, window_bounds = array<i64: 1, 1, 1024>}, {pipeline_mode = #tpu.pipeline_mode<synchronous>, transform_indices = @transform_2, window_bounds = array<i64: 512, 512>}]} {
    %get3A = arith.constant 0 : index
    %get3A_0 = arith.constant 0 : index
    %get3A_1 = arith.constant 0 : index
    %get3A_2 = vector.load %arg1[%get3A, %get3A_0, %get3A_1] : memref<1x1x1024xi32, #tpu.memory_space<vmem>>, vector<1x1x1024xi32>
    %get3A_3 = vector.shape_cast %get3A_2 : vector<1x1x1024xi32> to vector<1024xi32>
    %get3A_4 = arith.constant 0 : index
    %get3A_5 = arith.constant 0 : index
    %get3A_6 = arith.constant 0 : index
    %get3A_7 = vector.load %arg2[%get3A_4, %get3A_5, %get3A_6] : memref<1x1x1024xi32, #tpu.memory_space<vmem>>, vector<1x1x1024xi32>
    %get3A_8 = vector.shape_cast %get3A_7 : vector<1x1x1024xi32> to vector<1024xi32>
    %iota3A = tpu.iota {dimensions = array<i32: 1>} : vector<1024x512xi32>
    %broadcast_in_dim3A = vector.shape_cast %get3A_3 : vector<1024xi32> to vector<1024x1xi32>
    %eq3A = vector.broadcast %broadcast_in_dim3A : vector<1024x1xi32> to vector<1024x512xi32>
    %eq3A_9 = arith.cmpi eq, %eq3A, %iota3A : vector<1024x512xi32>
    %convert_element_type3A = arith.extui %eq3A_9 : vector<1024x512xi1> to vector<1024x512xi32>
    %convert_element_type3A_10 = arith.sitofp %convert_element_type3A : vector<1024x512xi32> to vector<1024x512xf32>
    %broadcast_in_dim3A_11 = vector.shape_cast %get3A_8 : vector<1024xi32> to vector<1024x1xi32>
    %eq3A_12 = vector.broadcast %broadcast_in_dim3A_11 : vector<1024x1xi32> to vector<1024x512xi32>
    %eq3A_13 = arith.cmpi eq, %eq3A_12, %iota3A : vector<1024x512xi32>
    %convert_element_type3A_14 = arith.extui %eq3A_13 : vector<1024x512xi1> to vector<1024x512xi32>
    %convert_element_type3A_15 = arith.sitofp %convert_element_type3A_14 : vector<1024x512xi32> to vector<1024x512xf32>
    %dot_general3A = arith.constant dense<0.000000e+00> : vector<512x512xf32>
    %dot_general3A_16 = tpu.matmul %convert_element_type3A_15, %convert_element_type3A_10, %dot_general3A {dimension_numbers = #tpu.dot_dimension_numbers<[0], [0], [1], [1], [0, 1, 1, 1], [], []>, transpose_lhs_hint = false} : vector<1024x512xf32>, vector<1024x512xf32>, vector<512x512xf32> -> vector<512x512xf32>
    %eq3A_17 = arith.constant 0 : i32
    %eq3A_18 = arith.cmpi eq, %arg0, %eq3A_17 : i32
    %convert_element_type3A_19 = arith.extui %eq3A_18 : i1 to i32
    %cond3A = arith.constant 0 : i32
    %cond3A_20 = arith.cmpi ne, %convert_element_type3A_19, %cond3A : i32
    scf.if %cond3A_20 {
      %swap3A = arith.constant 0 : index
      %swap3A_25 = arith.constant 0 : index
      %swap3A_26 = vector.load %arg3[%swap3A, %swap3A_25] : memref<512x512xf32, #tpu.memory_space<vmem>>, vector<512x512xf32>
      tpu.vector_store %arg3[%swap3A, %swap3A_25], %dot_general3A_16 {strides = array<i32>} : memref<512x512xf32, #tpu.memory_space<vmem>>, vector<512x512xf32>,
    } else {
    }
    %ne3A = arith.constant 0 : i32
    %ne3A_21 = arith.cmpi ne, %arg0, %ne3A : i32
    %convert_element_type3A_22 = arith.extui %ne3A_21 : i1 to i32
    %cond3A_23 = arith.constant 0 : i32
    %cond3A_24 = arith.cmpi ne, %convert_element_type3A_22, %cond3A_23 : i32
    scf.if %cond3A_24 {
      %get3A_25 = arith.constant 0 : index
      %get3A_26 = arith.constant 0 : index
      %get3A_27 = vector.load %arg3[%get3A_25, %get3A_26] : memref<512x512xf32, #tpu.memory_space<vmem>>, vector<512x512xf32>
      %add3A = arith.addf %get3A_27, %dot_general3A_16 : vector<512x512xf32>
      %swap3A = arith.constant 0 : index
      %swap3A_28 = arith.constant 0 : index
      %swap3A_29 = vector.load %arg3[%swap3A, %swap3A_28] : memref<512x512xf32, #tpu.memory_space<vmem>>, vector<512x512xf32>
      tpu.vector_store %arg3[%swap3A, %swap3A_28], %add3A {strides = array<i32>} : memref<512x512xf32, #tpu.memory_space<vmem>>, vector<512x512xf32>,
    } else {
    }
    return
  }
  func.func @transform_0(%arg0: i32) -> (i32, i32, i32) {
    %c0_i32 = arith.constant 0 : i32
    %c0_i32_0 = arith.constant 0 : i32
    %c0_i32_1 = arith.constant 0 : i32
    return %arg0, %c0_i32, %c0_i32_0 : i32, i32, i32
  }
  func.func @transform_1(%arg0: i32) -> (i32, i32, i32) {
    %c0_i32 = arith.constant 0 : i32
    %c0_i32_0 = arith.constant 0 : i32
    %c0_i32_1 = arith.constant 0 : i32
    return %arg0, %c0_i32, %c0_i32_0 : i32, i32, i32
  }
  func.func @transform_2(%arg0: i32) -> (i32, i32) {
    %c0_i32 = arith.constant 0 : i32
    %c0_i32_0 = arith.constant 0 : i32
    %c0_i32_1 = arith.constant 0 : i32
    return %c0_i32, %c0_i32_0 : i32, i32
  }
}

module attributes {stable_mosaic.version = 14 : i64} {
  func.func @_tail_body(%arg0: i32, %arg1: memref<1000x128xf32, #tpu.memory_space<vmem>>, %arg2: memref<1000x128xf32, #tpu.memory_space<vmem>>, %arg3: memref<1000x128xf32, #tpu.memory_space<vmem>>, %arg4: memref<1x1x1000xi32, #tpu.memory_space<vmem>>, %arg5: memref<512x128xf32, #tpu.memory_space<vmem>>, %arg6: memref<512x512xf32, #tpu.memory_space<vmem>>, %arg7: memref<512x128xf32, #tpu.memory_space<vmem>>, %arg8: memref<1x128xf32, #tpu.memory_space<vmem>>, %arg9: memref<128x128xf32, #tpu.memory_space<vmem>>, %arg10: memref<1x128xf32, #tpu.memory_space<vmem>>, %arg11: memref<128x128xf32, #tpu.memory_space<vmem>>, %arg12: memref<1x128xf32, #tpu.memory_space<vmem>>, %arg13: memref<128x128xf32, #tpu.memory_space<vmem>>, %arg14: memref<1x128xf32, #tpu.memory_space<vmem>>, %arg15: memref<128x128xf32, #tpu.memory_space<vmem>>, %arg16: memref<1x128xf32, #tpu.memory_space<vmem>>, %arg17: memref<128x128xf32, #tpu.memory_space<vmem>>, %arg18: memref<1x128xf32, #tpu.memory_space<vmem>>, %arg19: memref<384x128xf32, #tpu.memory_space<vmem>>, %arg20: memref<1x128xf32, #tpu.memory_space<vmem>>, %arg21: memref<128x128xf32, #tpu.memory_space<vmem>>, %arg22: memref<1x128xf32, #tpu.memory_space<vmem>>, %arg23: memref<1x128xf32, #tpu.memory_space<vmem>>, %arg24: memref<512x384xf32, #tpu.memory_space<vmem>>) attributes {dimension_semantics = [#tpu.dimension_semantics<arbitrary>], iteration_bounds = array<i64: 10>, scalar_prefetch = 0 : i64, scratch_operands = 1 : i64, tpu.core_type = #tpu.core_type<tc>, window_params = [{transform_indices = @transform_0, window_bounds = array<i64: 1000, 128>}, {transform_indices = @transform_1, window_bounds = array<i64: 1000, 128>}, {transform_indices = @transform_2, window_bounds = array<i64: 1000, 128>}, {transform_indices = @transform_3, window_bounds = array<i64: 1, 1, 1000>}, {pipeline_mode = #tpu.pipeline_mode<synchronous>, transform_indices = @transform_4, window_bounds = array<i64: 512, 128>}, {pipeline_mode = #tpu.pipeline_mode<synchronous>, transform_indices = @transform_5, window_bounds = array<i64: 512, 512>}, {pipeline_mode = #tpu.pipeline_mode<synchronous>, transform_indices = @transform_6, window_bounds = array<i64: 512, 128>}, {pipeline_mode = #tpu.pipeline_mode<synchronous>, transform_indices = @transform_7, window_bounds = array<i64: 1, 128>}, {pipeline_mode = #tpu.pipeline_mode<synchronous>, transform_indices = @transform_8, window_bounds = array<i64: 128, 128>}, {pipeline_mode = #tpu.pipeline_mode<synchronous>, transform_indices = @transform_9, window_bounds = array<i64: 1, 128>}, {pipeline_mode = #tpu.pipeline_mode<synchronous>, transform_indices = @transform_10, window_bounds = array<i64: 128, 128>}, {pipeline_mode = #tpu.pipeline_mode<synchronous>, transform_indices = @transform_11, window_bounds = array<i64: 1, 128>}, {pipeline_mode = #tpu.pipeline_mode<synchronous>, transform_indices = @transform_12, window_bounds = array<i64: 128, 128>}, {pipeline_mode = #tpu.pipeline_mode<synchronous>, transform_indices = @transform_13, window_bounds = array<i64: 1, 128>}, {pipeline_mode = #tpu.pipeline_mode<synchronous>, transform_indices = @transform_14, window_bounds = array<i64: 128, 128>}, {pipeline_mode = #tpu.pipeline_mode<synchronous>, transform_indices = @transform_15, window_bounds = array<i64: 1, 128>}, {pipeline_mode = #tpu.pipeline_mode<synchronous>, transform_indices = @transform_16, window_bounds = array<i64: 128, 128>}, {pipeline_mode = #tpu.pipeline_mode<synchronous>, transform_indices = @transform_17, window_bounds = array<i64: 1, 128>}, {pipeline_mode = #tpu.pipeline_mode<synchronous>, transform_indices = @transform_18, window_bounds = array<i64: 384, 128>}, {pipeline_mode = #tpu.pipeline_mode<synchronous>, transform_indices = @transform_19, window_bounds = array<i64: 1, 128>}, {pipeline_mode = #tpu.pipeline_mode<synchronous>, transform_indices = @transform_20, window_bounds = array<i64: 128, 128>}, {pipeline_mode = #tpu.pipeline_mode<synchronous>, transform_indices = @transform_21, window_bounds = array<i64: 1, 128>}, {pipeline_mode = #tpu.pipeline_mode<synchronous>, transform_indices = @transform_22, window_bounds = array<i64: 1, 128>}]} {
    %get3A = arith.constant 0 : index
    %get3A_0 = arith.constant 0 : index
    %get3A_1 = arith.constant 0 : index
    %get3A_2 = vector.load %arg4[%get3A, %get3A_0, %get3A_1] : memref<1x1x1000xi32, #tpu.memory_space<vmem>>, vector<1x1x1000xi32>
    %get3A_3 = vector.shape_cast %get3A_2 : vector<1x1x1000xi32> to vector<1000xi32>
    %get3A_4 = arith.constant 0 : index
    %get3A_5 = arith.constant 0 : index
    %get3A_6 = vector.load %arg1[%get3A_4, %get3A_5] : memref<1000x128xf32, #tpu.memory_space<vmem>>, vector<1000x128xf32>
    %get3A_7 = arith.constant 0 : index
    %get3A_8 = arith.constant 0 : index
    %get3A_9 = vector.load %arg2[%get3A_7, %get3A_8] : memref<1000x128xf32, #tpu.memory_space<vmem>>, vector<1000x128xf32>
    %get3A_10 = arith.constant 0 : index
    %get3A_11 = arith.constant 0 : index
    %get3A_12 = vector.load %arg3[%get3A_10, %get3A_11] : memref<1000x128xf32, #tpu.memory_space<vmem>>, vector<1000x128xf32>
    %concatenate3A = tpu.concatenate %get3A_6, %get3A_9, %get3A_12 in 1 : vector<1000x128xf32>, vector<1000x128xf32>, vector<1000x128xf32> -> vector<1000x384xf32>
    %iota3A = tpu.iota {dimensions = array<i32: 1>} : vector<1000x512xi32>
    %broadcast_in_dim3A = vector.shape_cast %get3A_3 : vector<1000xi32> to vector<1000x1xi32>
    %eq3A = vector.broadcast %broadcast_in_dim3A : vector<1000x1xi32> to vector<1000x512xi32>
    %eq3A_13 = arith.cmpi eq, %eq3A, %iota3A : vector<1000x512xi32>
    %convert_element_type3A = arith.extui %eq3A_13 : vector<1000x512xi1> to vector<1000x512xi32>
    %convert_element_type3A_14 = arith.sitofp %convert_element_type3A : vector<1000x512xi32> to vector<1000x512xf32>
    %dot_general3A = arith.constant dense<0.000000e+00> : vector<512x384xf32>
    %dot_general3A_15 = tpu.matmul %convert_element_type3A_14, %concatenate3A, %dot_general3A {dimension_numbers = #tpu.dot_dimension_numbers<[0], [0], [1], [1], [0, 1, 1, 1], [], []>, transpose_lhs_hint = false} : vector<1000x512xf32>, vector<1000x384xf32>, vector<512x384xf32> -> vector<512x384xf32>
    %eq3A_16 = arith.constant 0 : i32
    %eq3A_17 = arith.cmpi eq, %arg0, %eq3A_16 : i32
    %convert_element_type3A_18 = arith.extui %eq3A_17 : i1 to i32
    %cond3A = arith.constant 0 : i32
    %cond3A_19 = arith.cmpi ne, %convert_element_type3A_18, %cond3A : i32
    scf.if %cond3A_19 {
      %swap3A = arith.constant 0 : index
      %swap3A_29 = arith.constant 0 : index
      %swap3A_30 = vector.load %arg24[%swap3A, %swap3A_29] : memref<512x384xf32, #tpu.memory_space<vmem>>, vector<512x384xf32>
      tpu.vector_store %arg24[%swap3A, %swap3A_29], %dot_general3A_15 {strides = array<i32>} : memref<512x384xf32, #tpu.memory_space<vmem>>, vector<512x384xf32>,
    } else {
    }
    %ne3A = arith.constant 0 : i32
    %ne3A_20 = arith.cmpi ne, %arg0, %ne3A : i32
    %convert_element_type3A_21 = arith.extui %ne3A_20 : i1 to i32
    %cond3A_22 = arith.constant 0 : i32
    %cond3A_23 = arith.cmpi ne, %convert_element_type3A_21, %cond3A_22 : i32
    scf.if %cond3A_23 {
      %get3A_29 = arith.constant 0 : index
      %get3A_30 = arith.constant 0 : index
      %get3A_31 = vector.load %arg24[%get3A_29, %get3A_30] : memref<512x384xf32, #tpu.memory_space<vmem>>, vector<512x384xf32>
      %add3A = arith.addf %get3A_31, %dot_general3A_15 : vector<512x384xf32>
      %swap3A = arith.constant 0 : index
      %swap3A_32 = arith.constant 0 : index
      %swap3A_33 = vector.load %arg24[%swap3A, %swap3A_32] : memref<512x384xf32, #tpu.memory_space<vmem>>, vector<512x384xf32>
      tpu.vector_store %arg24[%swap3A, %swap3A_32], %add3A {strides = array<i32>} : memref<512x384xf32, #tpu.memory_space<vmem>>, vector<512x384xf32>,
    } else {
    }
    %eq3A_24 = arith.constant 9 : i32
    %eq3A_25 = arith.cmpi eq, %arg0, %eq3A_24 : i32
    %convert_element_type3A_26 = arith.extui %eq3A_25 : i1 to i32
    %cond3A_27 = arith.constant 0 : i32
    %cond3A_28 = arith.cmpi ne, %convert_element_type3A_26, %cond3A_27 : i32
    scf.if %cond3A_28 {
      %get3A_29 = arith.constant 0 : index
      %get3A_30 = arith.constant 0 : index
      %get3A_31 = vector.load %arg24[%get3A_29, %get3A_30] : memref<512x384xf32, #tpu.memory_space<vmem>>, vector<512x384xf32>
      %get3A_32 = arith.constant 0 : index
      %get3A_33 = arith.constant 0 : index
      %get3A_34 = vector.load %arg5[%get3A_32, %get3A_33] : memref<512x128xf32, #tpu.memory_space<vmem>>, vector<512x128xf32>
      %concatenate3A_35 = tpu.concatenate %get3A_31, %get3A_34 in 1 : vector<512x384xf32>, vector<512x128xf32> -> vector<512x512xf32>
      %get3A_36 = arith.constant 0 : index
      %get3A_37 = arith.constant 0 : index
      %get3A_38 = vector.load %arg6[%get3A_36, %get3A_37] : memref<512x512xf32, #tpu.memory_space<vmem>>, vector<512x512xf32>
      %dot_general3A_39 = arith.constant dense<0.000000e+00> : vector<512x512xf32>
      %dot_general3A_40 = tpu.matmul %get3A_38, %concatenate3A_35, %dot_general3A_39 {dimension_numbers = #tpu.dot_dimension_numbers<[1], [0], [0], [1], [0, 0, 1, 1], [], []>, transpose_lhs_hint = false} : vector<512x512xf32>, vector<512x512xf32>, vector<512x512xf32> -> vector<512x512xf32>
      %add3A = arith.addf %concatenate3A_35, %dot_general3A_40 : vector<512x512xf32>
      %get3A_41 = arith.constant 0 : index
      %get3A_42 = arith.constant 0 : index
      %get3A_43 = vector.load %arg7[%get3A_41, %get3A_42] : memref<512x128xf32, #tpu.memory_space<vmem>>, vector<512x128xf32>
      %dot_general3A_44 = arith.constant dense<0.000000e+00> : vector<512x128xf32>
      %dot_general3A_45 = tpu.matmul %add3A, %get3A_43, %dot_general3A_44 {dimension_numbers = #tpu.dot_dimension_numbers<[1], [0], [0], [1], [0, 0, 1, 1], [], []>, transpose_lhs_hint = false} : vector<512x512xf32>, vector<512x128xf32>, vector<512x128xf32> -> vector<512x128xf32>
      %get3A_46 = arith.constant 0 : index
      %get3A_47 = arith.constant 0 : index
      %get3A_48 = vector.load %arg8[%get3A_46, %get3A_47] : memref<1x128xf32, #tpu.memory_space<vmem>>, vector<1x128xf32>
      %add3A_49 = vector.broadcast %get3A_48 : vector<1x128xf32> to vector<512x128xf32>
      %add3A_50 = arith.addf %dot_general3A_45, %add3A_49 : vector<512x128xf32>
      %max3A = arith.constant 0.000000e+00 : f32
      %max3A_51 = vector.broadcast %max3A : f32 to vector<512x128xf32>
      %max3A_52 = arith.maximumf %add3A_50, %max3A_51 : vector<512x128xf32>
      %get3A_53 = arith.constant 0 : index
      %get3A_54 = arith.constant 0 : index
      %get3A_55 = vector.load %arg9[%get3A_53, %get3A_54] : memref<128x128xf32, #tpu.memory_space<vmem>>, vector<128x128xf32>
      %dot_general3A_56 = arith.constant dense<0.000000e+00> : vector<512x128xf32>
      %dot_general3A_57 = tpu.matmul %max3A_52, %get3A_55, %dot_general3A_56 {dimension_numbers = #tpu.dot_dimension_numbers<[1], [0], [0], [1], [0, 0, 1, 1], [], []>, transpose_lhs_hint = false} : vector<512x128xf32>, vector<128x128xf32>, vector<512x128xf32> -> vector<512x128xf32>
      %get3A_58 = arith.constant 0 : index
      %get3A_59 = arith.constant 0 : index
      %get3A_60 = vector.load %arg10[%get3A_58, %get3A_59] : memref<1x128xf32, #tpu.memory_space<vmem>>, vector<1x128xf32>
      %add3A_61 = vector.broadcast %get3A_60 : vector<1x128xf32> to vector<512x128xf32>
      %add3A_62 = arith.addf %dot_general3A_57, %add3A_61 : vector<512x128xf32>
      %max3A_63 = arith.constant 0.000000e+00 : f32
      %max3A_64 = vector.broadcast %max3A_63 : f32 to vector<512x128xf32>
      %max3A_65 = arith.maximumf %add3A_62, %max3A_64 : vector<512x128xf32>
      %dot_general3A_66 = arith.constant dense<0.000000e+00> : vector<512x128xf32>
      %dot_general3A_67 = tpu.matmul %get3A_38, %max3A_65, %dot_general3A_66 {dimension_numbers = #tpu.dot_dimension_numbers<[1], [0], [0], [1], [0, 0, 1, 1], [], []>, transpose_lhs_hint = false} : vector<512x512xf32>, vector<512x128xf32>, vector<512x128xf32> -> vector<512x128xf32>
      %add3A_68 = arith.addf %max3A_65, %dot_general3A_67 : vector<512x128xf32>
      %get3A_69 = arith.constant 0 : index
      %get3A_70 = arith.constant 0 : index
      %get3A_71 = vector.load %arg11[%get3A_69, %get3A_70] : memref<128x128xf32, #tpu.memory_space<vmem>>, vector<128x128xf32>
      %dot_general3A_72 = arith.constant dense<0.000000e+00> : vector<512x128xf32>
      %dot_general3A_73 = tpu.matmul %add3A_68, %get3A_71, %dot_general3A_72 {dimension_numbers = #tpu.dot_dimension_numbers<[1], [0], [0], [1], [0, 0, 1, 1], [], []>, transpose_lhs_hint = false} : vector<512x128xf32>, vector<128x128xf32>, vector<512x128xf32> -> vector<512x128xf32>
      %get3A_74 = arith.constant 0 : index
      %get3A_75 = arith.constant 0 : index
      %get3A_76 = vector.load %arg12[%get3A_74, %get3A_75] : memref<1x128xf32, #tpu.memory_space<vmem>>, vector<1x128xf32>
      %add3A_77 = vector.broadcast %get3A_76 : vector<1x128xf32> to vector<512x128xf32>
      %add3A_78 = arith.addf %dot_general3A_73, %add3A_77 : vector<512x128xf32>
      %max3A_79 = arith.constant 0.000000e+00 : f32
      %max3A_80 = vector.broadcast %max3A_79 : f32 to vector<512x128xf32>
      %max3A_81 = arith.maximumf %add3A_78, %max3A_80 : vector<512x128xf32>
      %get3A_82 = arith.constant 0 : index
      %get3A_83 = arith.constant 0 : index
      %get3A_84 = vector.load %arg13[%get3A_82, %get3A_83] : memref<128x128xf32, #tpu.memory_space<vmem>>, vector<128x128xf32>
      %dot_general3A_85 = arith.constant dense<0.000000e+00> : vector<512x128xf32>
      %dot_general3A_86 = tpu.matmul %max3A_81, %get3A_84, %dot_general3A_85 {dimension_numbers = #tpu.dot_dimension_numbers<[1], [0], [0], [1], [0, 0, 1, 1], [], []>, transpose_lhs_hint = false} : vector<512x128xf32>, vector<128x128xf32>, vector<512x128xf32> -> vector<512x128xf32>
      %get3A_87 = arith.constant 0 : index
      %get3A_88 = arith.constant 0 : index
      %get3A_89 = vector.load %arg14[%get3A_87, %get3A_88] : memref<1x128xf32, #tpu.memory_space<vmem>>, vector<1x128xf32>
      %add3A_90 = vector.broadcast %get3A_89 : vector<1x128xf32> to vector<512x128xf32>
      %add3A_91 = arith.addf %dot_general3A_86, %add3A_90 : vector<512x128xf32>
      %max3A_92 = arith.constant 0.000000e+00 : f32
      %max3A_93 = vector.broadcast %max3A_92 : f32 to vector<512x128xf32>
      %max3A_94 = arith.maximumf %add3A_91, %max3A_93 : vector<512x128xf32>
      %dot_general3A_95 = arith.constant dense<0.000000e+00> : vector<512x128xf32>
      %dot_general3A_96 = tpu.matmul %get3A_38, %max3A_94, %dot_general3A_95 {dimension_numbers = #tpu.dot_dimension_numbers<[1], [0], [0], [1], [0, 0, 1, 1], [], []>, transpose_lhs_hint = false} : vector<512x512xf32>, vector<512x128xf32>, vector<512x128xf32> -> vector<512x128xf32>
      %add3A_97 = arith.addf %max3A_94, %dot_general3A_96 : vector<512x128xf32>
      %get3A_98 = arith.constant 0 : index
      %get3A_99 = arith.constant 0 : index
      %get3A_100 = vector.load %arg15[%get3A_98, %get3A_99] : memref<128x128xf32, #tpu.memory_space<vmem>>, vector<128x128xf32>
      %dot_general3A_101 = arith.constant dense<0.000000e+00> : vector<512x128xf32>
      %dot_general3A_102 = tpu.matmul %add3A_97, %get3A_100, %dot_general3A_101 {dimension_numbers = #tpu.dot_dimension_numbers<[1], [0], [0], [1], [0, 0, 1, 1], [], []>, transpose_lhs_hint = false} : vector<512x128xf32>, vector<128x128xf32>, vector<512x128xf32> -> vector<512x128xf32>
      %get3A_103 = arith.constant 0 : index
      %get3A_104 = arith.constant 0 : index
      %get3A_105 = vector.load %arg16[%get3A_103, %get3A_104] : memref<1x128xf32, #tpu.memory_space<vmem>>, vector<1x128xf32>
      %add3A_106 = vector.broadcast %get3A_105 : vector<1x128xf32> to vector<512x128xf32>
      %add3A_107 = arith.addf %dot_general3A_102, %add3A_106 : vector<512x128xf32>
      %max3A_108 = arith.constant 0.000000e+00 : f32
      %max3A_109 = vector.broadcast %max3A_108 : f32 to vector<512x128xf32>
      %max3A_110 = arith.maximumf %add3A_107, %max3A_109 : vector<512x128xf32>
      %get3A_111 = arith.constant 0 : index
      %get3A_112 = arith.constant 0 : index
      %get3A_113 = vector.load %arg17[%get3A_111, %get3A_112] : memref<128x128xf32, #tpu.memory_space<vmem>>, vector<128x128xf32>
      %dot_general3A_114 = arith.constant dense<0.000000e+00> : vector<512x128xf32>
      %dot_general3A_115 = tpu.matmul %max3A_110, %get3A_113, %dot_general3A_114 {dimension_numbers = #tpu.dot_dimension_numbers<[1], [0], [0], [1], [0, 0, 1, 1], [], []>, transpose_lhs_hint = false} : vector<512x128xf32>, vector<128x128xf32>, vector<512x128xf32> -> vector<512x128xf32>
      %get3A_116 = arith.constant 0 : index
      %get3A_117 = arith.constant 0 : index
      %get3A_118 = vector.load %arg18[%get3A_116, %get3A_117] : memref<1x128xf32, #tpu.memory_space<vmem>>, vector<1x128xf32>
      %add3A_119 = vector.broadcast %get3A_118 : vector<1x128xf32> to vector<512x128xf32>
      %add3A_120 = arith.addf %dot_general3A_115, %add3A_119 : vector<512x128xf32>
      %max3A_121 = arith.constant 0.000000e+00 : f32
      %max3A_122 = vector.broadcast %max3A_121 : f32 to vector<512x128xf32>
      %max3A_123 = arith.maximumf %add3A_120, %max3A_122 : vector<512x128xf32>
      %concatenate3A_124 = tpu.concatenate %max3A_65, %max3A_94, %max3A_123 in 1 : vector<512x128xf32>, vector<512x128xf32>, vector<512x128xf32> -> vector<512x384xf32>
      %reduce_sum3A = arith.constant dense<0.000000e+00> : vector<384xf32>
      %reduce_sum3A_125 = vector.multi_reduction <add>, %concatenate3A_124, %reduce_sum3A [0] : vector<512x384xf32> to vector<384xf32>
      %broadcast_in_dim3A_126 = vector.shape_cast %reduce_sum3A_125 : vector<384xf32> to vector<1x384xf32>
      %mul3A = arith.constant 0.001953125 : f32
      %mul3A_127 = vector.broadcast %mul3A : f32 to vector<1x384xf32>
      %mul3A_128 = arith.mulf %broadcast_in_dim3A_126, %mul3A_127 : vector<1x384xf32>
      %get3A_129 = arith.constant 0 : index
      %get3A_130 = arith.constant 0 : index
      %get3A_131 = vector.load %arg19[%get3A_129, %get3A_130] : memref<384x128xf32, #tpu.memory_space<vmem>>, vector<384x128xf32>
      %dot_general3A_132 = arith.constant dense<0.000000e+00> : vector<1x128xf32>
      %dot_general3A_133 = tpu.matmul %mul3A_128, %get3A_131, %dot_general3A_132 {dimension_numbers = #tpu.dot_dimension_numbers<[1], [0], [0], [1], [0, 0, 1, 1], [], []>, transpose_lhs_hint = false} : vector<1x384xf32>, vector<384x128xf32>, vector<1x128xf32> -> vector<1x128xf32>
      %get3A_134 = arith.constant 0 : index
      %get3A_135 = arith.constant 0 : index
      %get3A_136 = vector.load %arg20[%get3A_134, %get3A_135] : memref<1x128xf32, #tpu.memory_space<vmem>>, vector<1x128xf32>
      %add3A_137 = arith.addf %dot_general3A_133, %get3A_136 : vector<1x128xf32>
      %max3A_138 = arith.constant 0.000000e+00 : f32
      %max3A_139 = vector.broadcast %max3A_138 : f32 to vector<1x128xf32>
      %max3A_140 = arith.maximumf %add3A_137, %max3A_139 : vector<1x128xf32>
      %get3A_141 = arith.constant 0 : index
      %get3A_142 = arith.constant 0 : index
      %get3A_143 = vector.load %arg21[%get3A_141, %get3A_142] : memref<128x128xf32, #tpu.memory_space<vmem>>, vector<128x128xf32>
      %dot_general3A_144 = arith.constant dense<0.000000e+00> : vector<1x128xf32>
      %dot_general3A_145 = tpu.matmul %max3A_140, %get3A_143, %dot_general3A_144 {dimension_numbers = #tpu.dot_dimension_numbers<[1], [0], [0], [1], [0, 0, 1, 1], [], []>, transpose_lhs_hint = false} : vector<1x128xf32>, vector<128x128xf32>, vector<1x128xf32> -> vector<1x128xf32>
      %get3A_146 = arith.constant 0 : index
      %get3A_147 = arith.constant 0 : index
      %get3A_148 = vector.load %arg22[%get3A_146, %get3A_147] : memref<1x128xf32, #tpu.memory_space<vmem>>, vector<1x128xf32>
      %add3A_149 = arith.addf %dot_general3A_145, %get3A_148 : vector<1x128xf32>
      %swap3A = arith.constant 0 : index
      %swap3A_150 = arith.constant 0 : index
      %swap3A_151 = vector.load %arg23[%swap3A, %swap3A_150] : memref<1x128xf32, #tpu.memory_space<vmem>>, vector<1x128xf32>
      tpu.vector_store %arg23[%swap3A, %swap3A_150], %add3A_149 {strides = array<i32>} : memref<1x128xf32, #tpu.memory_space<vmem>>, vector<1x128xf32>,
    } else {
    }
    return
  }
  func.func @transform_0(%arg0: i32) -> (i32, i32) {
    %c0_i32 = arith.constant 0 : i32
    %c0_i32_0 = arith.constant 0 : i32
    return %arg0, %c0_i32 : i32, i32
  }
  func.func @transform_1(%arg0: i32) -> (i32, i32) {
    %c0_i32 = arith.constant 0 : i32
    %c0_i32_0 = arith.constant 0 : i32
    return %arg0, %c0_i32 : i32, i32
  }
  func.func @transform_2(%arg0: i32) -> (i32, i32) {
    %c0_i32 = arith.constant 0 : i32
    %c0_i32_0 = arith.constant 0 : i32
    return %arg0, %c0_i32 : i32, i32
  }
  func.func @transform_3(%arg0: i32) -> (i32, i32, i32) {
    %c0_i32 = arith.constant 0 : i32
    %c0_i32_0 = arith.constant 0 : i32
    %c0_i32_1 = arith.constant 0 : i32
    return %arg0, %c0_i32, %c0_i32_0 : i32, i32, i32
  }
  func.func @transform_4(%arg0: i32) -> (i32, i32) {
    %c0_i32 = arith.constant 0 : i32
    %c0_i32_0 = arith.constant 0 : i32
    %c0_i32_1 = arith.constant 0 : i32
    return %c0_i32, %c0_i32_0 : i32, i32
  }
  func.func @transform_5(%arg0: i32) -> (i32, i32) {
    %c0_i32 = arith.constant 0 : i32
    %c0_i32_0 = arith.constant 0 : i32
    %c0_i32_1 = arith.constant 0 : i32
    return %c0_i32, %c0_i32_0 : i32, i32
  }
  func.func @transform_6(%arg0: i32) -> (i32, i32) {
    %c0_i32 = arith.constant 0 : i32
    %c0_i32_0 = arith.constant 0 : i32
    %c0_i32_1 = arith.constant 0 : i32
    return %c0_i32, %c0_i32_0 : i32, i32
  }
  func.func @transform_7(%arg0: i32) -> (i32, i32) {
    %c0_i32 = arith.constant 0 : i32
    %c0_i32_0 = arith.constant 0 : i32
    %c0_i32_1 = arith.constant 0 : i32
    return %c0_i32, %c0_i32_0 : i32, i32
  }
  func.func @transform_8(%arg0: i32) -> (i32, i32) {
    %c0_i32 = arith.constant 0 : i32
    %c0_i32_0 = arith.constant 0 : i32
    %c0_i32_1 = arith.constant 0 : i32
    return %c0_i32, %c0_i32_0 : i32, i32
  }
  func.func @transform_9(%arg0: i32) -> (i32, i32) {
    %c0_i32 = arith.constant 0 : i32
    %c0_i32_0 = arith.constant 0 : i32
    %c0_i32_1 = arith.constant 0 : i32
    return %c0_i32, %c0_i32_0 : i32, i32
  }
  func.func @transform_10(%arg0: i32) -> (i32, i32) {
    %c0_i32 = arith.constant 0 : i32
    %c0_i32_0 = arith.constant 0 : i32
    %c0_i32_1 = arith.constant 0 : i32
    return %c0_i32, %c0_i32_0 : i32, i32
  }
  func.func @transform_11(%arg0: i32) -> (i32, i32) {
    %c0_i32 = arith.constant 0 : i32
    %c0_i32_0 = arith.constant 0 : i32
    %c0_i32_1 = arith.constant 0 : i32
    return %c0_i32, %c0_i32_0 : i32, i32
  }
  func.func @transform_12(%arg0: i32) -> (i32, i32) {
    %c0_i32 = arith.constant 0 : i32
    %c0_i32_0 = arith.constant 0 : i32
    %c0_i32_1 = arith.constant 0 : i32
    return %c0_i32, %c0_i32_0 : i32, i32
  }
  func.func @transform_13(%arg0: i32) -> (i32, i32) {
    %c0_i32 = arith.constant 0 : i32
    %c0_i32_0 = arith.constant 0 : i32
    %c0_i32_1 = arith.constant 0 : i32
    return %c0_i32, %c0_i32_0 : i32, i32
  }
  func.func @transform_14(%arg0: i32) -> (i32, i32) {
    %c0_i32 = arith.constant 0 : i32
    %c0_i32_0 = arith.constant 0 : i32
    %c0_i32_1 = arith.constant 0 : i32
    return %c0_i32, %c0_i32_0 : i32, i32
  }
  func.func @transform_15(%arg0: i32) -> (i32, i32) {
    %c0_i32 = arith.constant 0 : i32
    %c0_i32_0 = arith.constant 0 : i32
    %c0_i32_1 = arith.constant 0 : i32
    return %c0_i32, %c0_i32_0 : i32, i32
  }
  func.func @transform_16(%arg0: i32) -> (i32, i32) {
    %c0_i32 = arith.constant 0 : i32
    %c0_i32_0 = arith.constant 0 : i32
    %c0_i32_1 = arith.constant 0 : i32
    return %c0_i32, %c0_i32_0 : i32, i32
  }
  func.func @transform_17(%arg0: i32) -> (i32, i32) {
    %c0_i32 = arith.constant 0 : i32
    %c0_i32_0 = arith.constant 0 : i32
    %c0_i32_1 = arith.constant 0 : i32
    return %c0_i32, %c0_i32_0 : i32, i32
  }
  func.func @transform_18(%arg0: i32) -> (i32, i32) {
    %c0_i32 = arith.constant 0 : i32
    %c0_i32_0 = arith.constant 0 : i32
    %c0_i32_1 = arith.constant 0 : i32
    return %c0_i32, %c0_i32_0 : i32, i32
  }
  func.func @transform_19(%arg0: i32) -> (i32, i32) {
    %c0_i32 = arith.constant 0 : i32
    %c0_i32_0 = arith.constant 0 : i32
    %c0_i32_1 = arith.constant 0 : i32
    return %c0_i32, %c0_i32_0 : i32, i32
  }
  func.func @transform_20(%arg0: i32) -> (i32, i32) {
    %c0_i32 = arith.constant 0 : i32
    %c0_i32_0 = arith.constant 0 : i32
    %c0_i32_1 = arith.constant 0 : i32
    return %c0_i32, %c0_i32_0 : i32, i32
  }
  func.func @transform_21(%arg0: i32) -> (i32, i32) {
    %c0_i32 = arith.constant 0 : i32
    %c0_i32_0 = arith.constant 0 : i32
    %c0_i32_1 = arith.constant 0 : i32
    return %c0_i32, %c0_i32_0 : i32, i32
  }
  func.func @transform_22(%arg0: i32) -> (i32, i32) {
    %c0_i32 = arith.constant 0 : i32
    %c0_i32_0 = arith.constant 0 : i32
    %c0_i32_1 = arith.constant 0 : i32
    return %c0_i32, %c0_i32_0 : i32, i32
  }
}

</mosaic_0001>

<sc_bundles>
// kernel: kernel.10.cloned.1.call-start
scs
__scs_entry_jumppad:
0x0: {  	(pc) =	sbr.rel $0x88, $3  }
0x1: {  	(tag) =	ssettag $0x0;
	lr =	simm.s32 $0x1  }
0x2: {  	[smem:$0x3F80] =	sst lr;
	_ =	strace $0xD0000000  }
0x3: {  	_ = 	snop  }
0x4: {  	_ = 	snop  }
0x5: {  	_ = 	snop  }
0x6: {  	_ = 	snop  }
0x7: {  	_ = 	snop  }
__scs_overlays_trampoline_lowered:
0x8: {  	[smem:$0x3F8F] =	sst s0  }
0x9: {  	[smem:$0x3F90] =	sst s1  }
0xa: {  	[smem:$0x3F91] =	sst s2  }
0xb: {  	[smem:$0x3F92] =	sst s3  }
0xc: {  	[smem:$0x3F93] =	sst s4  }
0xd: {  	[smem:$0x3F94] =	sst s5  }
0xe: {  	[smem:$0x3F95] =	sst s6  }
0xf: {  	[smem:$0x3F96] =	sst s7  }
0x10: {  	[smem:$0x3F97] =	sst s8  }
0x11: {  	[smem:$0x3F98] =	sst s9;
	s0 =	simm.s32 @!p0 $0x0  }
0x12: {  	s1 =	sld [smem:$0x3F7E];
	s0 =	simm.s32 @p0 $0x1  }
0x13: {  	[smem:$0x3F99] =	sst s0;
	s0 =	simm.s32 @!p1 $0x0  }
0x14: {  	s2 =	sld [smem:$0x3F7D];
	s0 =	simm.s32 @p1 $0x1  }
0x15: {  	[smem:$0x3F9A] =	sst s0;
	s0 =	simm.s32 @!p2 $0x0  }
0x16: {  	s3 =	sld [smem:$0x3FDB];
	s0 =	simm.s32 @p2 $0x1  }
0x17: {  	s4 =	simm.s32 $0x1BF5;
	[smem:$0x3F9C] =	sst s0  }
0x18: {  	s0 =	sld [smem:$0x3F7F];
	_ =	swait.ge [sflag:s4], $0x0  }
0x19: {  	s7 =	sld [smem:$0x3F80]  }
0x1a: {  	s8 =	sadd.s32 $0xFFFFE003, lr  }
0x1b: {  	s9 =	sadd.s32 $0xFFFFFEF7, lr;
	s5 =	simm.s32 $0xFFFFFFFF;
	p2 =	slt.u32 s8, $0xFFFFF086  }
0x1c: {  	p1 =	slt.u32 s9, $0xF7A;
	s5 =	simm.s32 @!p2 $0x0  }
0x1d: {  	s5 =	simm.s32 @p1 $0x1;
	p0 =	seq.s32 s7, s2  }
0x1e: {  	s7 =	smul.u32 @!p0 $0xF7A, s2;
	p2 =	seq.s32 @!p0 s5, $0x0  }
0x1f: {  	s9 =	smul.u32 $0xF7A, s1;
	s8 =	simm.s32 @!p0 $0x1BF5;
	p2 =	por !p2, p0  }
0x20: {  	[sflag:s8] =	ssyncset.s32 @!p0 $0xFFFFF086;
	s6 =	sadd.s32 @!p0 s3, s7;
	s7 =	simm.s32 @!p0 $0x108  }
0x21: {  	s3 =	sadd.s32 s3, s9;
	s6 =	sadd.s32 @!p0 $0x88, s6;
	s7 =	simm.s32 @p2 $0x1082  }
0x22: {  	[simem:s7], [sflag:s8] =	dma.local @!p0 [hbm:s6], $0xF7A  }
0x23: {  	s9 =	sor.u32 $0xD0000000, s2;
	s6 =	simm.s32 $0x108;
	_ =	swait.ge @!p0 [sflag:s8], $0x0  }
0x24: {  	s3 =	sadd.s32 $0x88, s3;
	s6 =	simm.s32 @!p1 $0x1082;
	[sflag:s4] =	ssyncset.s32 $0xFFFFF086  }
0x25: {  	[simem:s6], [sflag:s4] =	dma.local [hbm:s3], $0xF7A  }
0x26: {  	[smem:$0x3F80] =	sst s1;
	(tag) =	ssettag s2;
	_ =	strace s9  }
0x27: {  	s1 =	sld [smem:$0x3F90]  }
0x28: {  	s2 =	sld [smem:$0x3F91]  }
0x29: {  	s4 =	sld [smem:$0x3F93]  }
0x2a: {  	p0 =	seq.s32 s5, $0x0;
	s5 =	sld [smem:$0x3F94]  }
0x2b: {  	s6 =	sld [smem:$0x3F95]  }
0x2c: {  	s7 =	sld [smem:$0x3F96]  }
0x2d: {  	s3 =	simm.s32 $0x108;
	s8 =	sld [smem:$0x3F97]  }
0x2e: {  	s3 =	simm.s32 @!p0 $0x1082;
	s9 =	sld [smem:$0x3F98]  }
0x2f: {  	lr =	sadd.s32 s0, s3;
	s0 =	sld [smem:$0x3F8F]  }
0x30: {  	s3 =	sld [smem:$0x3F92]  }
0x31: {  	[smem:$0x3F9B] =	sst s10  }
0x32: {  	s10 =	sld [smem:$0x3F99];
	_ =	sdelay $0x3  }
0x33: {  	p0 =	seq.s32 s10, $0x1;
	s10 =	sld [smem:$0x3F9B];
	_ =	sdelay $0x3  }
0x34: {  	[smem:$0x3F9B] =	sst s10  }
0x35: {  	s10 =	sld [smem:$0x3F9A];
	_ =	sdelay $0x3  }
0x36: {  	p1 =	seq.s32 s10, $0x1;
	s10 =	sld [smem:$0x3F9B];
	_ =	sdelay $0x3  }
0x37: {  	[smem:$0x3F9B] =	sst s10  }
0x38: {  	s10 =	sld [smem:$0x3F9C]  }
0x39: {  	_ = 	snop;
	(pc) =	sbr.ind lr, $3  }
0x3a: {  	_ = 	snop  }
0x3b: {  	_ = 	snop  }
0x3c: {  	p2 =	seq.s32 s10, $0x1;
	s10 =	sld [smem:$0x3F9B]  }
0x3d: {  	_ =	shalt  }
0x3e: {  	_ =	shalt  }
0x3f: {  	_ =	shalt  }
0x40: {  	_ =	shalt  }
0x41: {  	_ =	shalt  }
0x42: {  	_ =	shalt  }
0x43: {  	_ =	shalt  }
0x44: {  	_ =	shalt  }
0x45: {  	_ =	shalt  }
0x46: {  	_ =	shalt  }
0x47: {  	_ =	shalt  }
0x48: {  	_ =	shalt  }
0x49: {  	_ =	shalt  }
0x4a: {  	_ =	shalt  }
0x4b: {  	_ =	shalt  }
0x4c: {  	_ =	shalt  }
0x4d: {  	_ =	shalt  }
0x4e: {  	_ =	shalt  }
0x4f: {  	_ =	shalt  }
0x50: {  	_ =	shalt  }
0x51: {  	_ =	shalt  }
0x52: {  	_ =	shalt  }
0x53: {  	_ =	shalt  }
0x54: {  	_ =	shalt  }
0x55: {  	_ =	shalt  }
0x56: {  	_ =	shalt  }
0x57: {  	_ =	shalt  }
0x58: {  	_ =	shalt  }
0x59: {  	_ =	shalt  }
0x5a: {  	_ =	shalt  }
0x5b: {  	_ =	shalt  }
0x5c: {  	_ =	shalt  }
0x5d: {  	_ =	shalt  }
0x5e: {  	_ =	shalt  }
0x5f: {  	_ =	shalt  }
0x60: {  	_ =	shalt  }
0x61: {  	_ =	shalt  }
0x62: {  	_ =	shalt  }
0x63: {  	_ =	shalt  }
0x64: {  	_ =	shalt  }
0x65: {  	_ =	shalt  }
0x66: {  	_ =	shalt  }
0x67: {  	_ =	shalt  }
0x68: {  	_ =	shalt  }
0x69: {  	_ =	shalt  }
0x6a: {  	_ =	shalt  }
0x6b: {  	_ =	shalt  }
0x6c: {  	_ =	shalt  }
0x6d: {  	_ =	shalt  }
0x6e: {  	_ =	shalt  }
0x6f: {  	_ =	shalt  }
0x70: {  	_ =	shalt  }
0x71: {  	_ =	shalt  }
0x72: {  	_ =	shalt  }
0x73: {  	_ =	shalt  }
0x74: {  	_ =	shalt  }
0x75: {  	_ =	shalt  }
0x76: {  	_ =	shalt  }
0x77: {  	_ =	shalt  }
0x78: {  	_ =	shalt  }
0x79: {  	_ =	shalt  }
0x7a: {  	_ =	shalt  }
0x7b: {  	_ =	shalt  }
0x7c: {  	_ =	shalt  }
0x7d: {  	_ =	shalt  }
0x7e: {  	_ =	shalt  }
0x7f: {  	_ =	shalt  }
0x80: {  	_ =	shalt  }
0x81: {  	_ =	shalt  }
0x82: {  	_ =	shalt  }
0x83: {  	_ =	shalt  }
0x84: {  	_ =	shalt  }
0x85: {  	_ =	shalt  }
0x86: {  	_ =	shalt  }
0x87: {  	_ =	shalt  }
.Lfunc_end0:
.L_simem_size_0:
called_computation_lowered:
.L_overlay_start_0:
0x88: {  	s2 =	sld [smem:$0x3FD9]  }
0x89: {  	s3 =	sld [smem:$0x3FFE];
	_ =	sdelay $0x1  }
0x8a: {  	s1 =	srdreg.scid  }
0x8b: {  	s0 =	sand.u32 $0x1, s1  }
0x8c: {  	s16 =	sshll.u32 s0, $0xA;
	s2 =	sadd.s32 s3, s2  }
0x8d: {  	s2 =	sadd.s32 s2, s16  }
0x8e: {  	[smem:$0x3FA7] =	sst s2  }
0x8f: {  	_ = 	snop  }
0x90: {  	(tm) =	ssettm $0x1  }
0x91: {  	s17 =	sld [smem:$0x3FFB];
	_ =	sdelay $0x3  }
0x92: {  	_ =	strace s17  }
0x93: {  	s2 =	sld [smem:$0x3FFC];
	_ =	sdelay $0x3  }
0x94: {  	_ =	strace s2  }
0x95: {  	s2 =	sld [smem:$0x3FFD];
	_ =	sdelay $0x3  }
0x96: {  	_ =	strace s2  }
0x97: {  	_ =	strace $0x8FFFFFFF  }
0x98: {  	s18 =	sld [smem:$0x3FDB];
	_ =	sdelay $0x1  }
0x99: {  	s19 =	simm.s32 $_scs_section_size  }
0x9a: {  	s4 =	simm.s32 $_size__tile_overlayer_lowered;
	s5 =	simm.s32 $_tile_overlayer_lowered  }
0x9b: {  	s22 =	simm.s32 $0x1BFF;
	s21 =	sshll.u32 s5, $0x1;
	s2 =	sadd.s32 s19, s18  }
0x9c: {  	s6 =	simm.s32 $0x0;
	s20 =	sshll.u32 s4, $0x1;
	s4 =	sadd.s32 s21, s2  }
0x9d: {  	[timem:s6], [sflag:s22] =	dma.local [hbm:s4], s20  }
0x9e: {  	_ =	swait.ge [sflag:s22], s20  }
0x9f: {  	s3 =	ssub.s32 $0x0, s20;
	[sflag:s22] =	ssyncset.done $0x0  }
0xa0: {  	[sflag:s22] =	ssyncadd.s32 s3;
	_ =	sdelay $0x1  }
0xa1: {  	s23 =	simm.s32 $0x1B8B  }
0xa2: {  	_ =	swait.ge [sflag:s23], $0x1  }
0xa3: {  	[sflag:s23] =	ssyncset.done $0x0  }
0xa4: {  	s25 =	simm.s32 $0x1B8E;
	s24 =	sld [smem:$0x3FFE];
	[sflag:s23] =	ssyncadd.s32 $0xFFFFFFFF  }
0xa5: {  	s26 =	simm.s32 $execute0_lowered;
	[smem:$0x3FD2] =	sst s25  }
0xa6: {  	s4 =	sshll.u32 s26, $0x1;
	_ =	strace $0x80000046;
	[dreg:$0x1] =	wrdreg $0xFFFFFFFF  }
0xa7: {  	s28 =	simm.s32 $_size_execute0_lowered;
	s2 =	sadd.s32 s2, s4;
	[dreg:$0x0] =	wrdreg $0x0  }
0xa8: {  	s4 =	sshll.u32 s28, $0x1;
	[dreg:$0x2] =	wrdreg s2  }
0xa9: {  	[dreg:$0x3] =	wrdreg s4  }
0xaa: {  	[dreg:$0x4] =	wrdreg $0xC0  }
0xab: {  	_ =	task [dreg:s6], $0x5FFFF  }
0xac: {  	[dreg:$0x1] =	wrdreg $0xFFFFFFFF  }
0xad: {  	[dreg:$0x0] =	wrdreg $0x60  }
0xae: {  	[dreg:$0x2] =	wrdreg s24  }
0xaf: {  	[dreg:$0x3] =	wrdreg $0x7A000  }
0xb0: {  	[dreg:$0x4] =	wrdreg $0x9  }
0xb1: {  	_ =	task.clear_ibuf [dreg:s6], $0x5FFFF;
	_ =	strace $0x90000046  }
0xb2: {  	s29 =	simm.s32 $0x9;
	_ =	strace $0x80000048  }
0xb3: {  	_ =	swait.ge [sflag:s29], $0x1  }
0xb4: {  	[sflag:s29] =	ssyncadd.s32 $0xFFFFFFFF  }
0xb5: {  	_ =	strace $0x90000048  }
0xb6: {  	_ =	sfence  }
0xb7: {  	s30 =	sld [smem:$0x0];
	_ =	sdelay $0x2  }
0xb8: {  	s31 =	sshll.u32 s1, $0xD;
	s1 =	sshrl.u32 s1, $0x2  }
0xb9: {  	s3 =	sand.u32 $0x4000, s31;
	s1 =	sadd.s32 s1, s30  }
0xba: {  	s0 =	sor.u32 s3, s0;
	s1 =	sshll.u32 s1, $0x11  }
0xbb: {  	s0 =	sor.u32 s1, s0  }
0xbc: {  	s0 =	sadd.s32 $0x8F2B, s0  }
0xbd: {  	[sflag:s0] =	ssyncadd.remote.s32 $0x1  }
0xbe: {  	_ =	sfence.sel $0xFFFF  }
0xbf: {  	[dreg:$0x0] =	wrdreg $0xFFFFFFFF;
	(pc) =	sbr.abs _section_cstart, $3  }
0xc0: {  	[dreg:$0x1] =	wrdreg $0xFFFFFFFF  }
0xc1: {  	_ =	task.clear_ibuf [dreg:s6], $0x2FFFF;
	_ =	strace $0x9FFFFFFF  }
0xc2: {  	(tm) =	ssettm $0x7FFFFFFF  }
0xc3: {  	_ =	shalt  }
tec
execute0_lowered:
.L_overlay_start_1:
0x0: {  	(tag) =	ssettag $0x1  }
0x1: {  	s0 =	rddreg [dreg:$0x0]  }
0x2: {  	s1 =	rddreg [dreg:$0x1];
	s3 =	simm.s32 $0x0  }
0x3: {  	s2 =	srdreg.scid;
	s13 =	stileid.u32;
	s28 =	simm.s32 $0x1  }
0x4: {  	s29 =	simm.s32 $0x78;
	s30 =	simm.s32 $0x200;
	s31 =	simm.s32 $0x2  }
0x5: {  	[smem:$0x7FF] =	sst s3;
	s2 =	sand.u32 $0x1, s2;
	s8 =	smul.u32 $0x14000, s13  }
0x6: {  	s4 =	sadd.s32 $0x37A00, s0;
	s5 =	sadd.s32 $0x2D800, s0;
	s12 =	smul.u32 $0x50000, s13  }
0x7: {  	s9 =	sshll.u32 s13, $0x1;
	s6 =	sadd.s32 $0x5800, s0;
	s21 =	smul.u32 $0x50A0, s13  }
0x8: {  	s10 =	sadd.s32 $0x41C00, s0;
	s22 =	sshll.u32 s13, $0x6;
	s7 =	smul.u32 $0x140000, s2  }
0x9: {  	_ =	strace $0x80000047;
	s25 =	sor.u32 s2, s9;
	s26 =	ssub.s32 $0x2, s2  }
0xa: {  	[dreg:$0x3] =	wrdreg s10;
	s2 =	smul.u32 $0x2850, s2;
	s13 =	sor.u32 $0x1C05, s22  }
0xb: {  	s10 =	sshrl.u32 s26, $0x1;
	s19 =	sshrl.u32 s12, $0x2;
	s7 =	sadd.s32 s8, s7  }
0xc: {  	s8 =	smul.u32 $0x2850, s25;
	s20 =	sadd.s32 s19, s1;
	s2 =	sadd.s32 s2, s21  }
0xd: {  	s7 =	sshrl.u32 s7, $0x3;
	[dreg:$0x8] =	wrdreg s20;
	s25 =	sadd.s32 $0x168, s2  }
0xe: {  	s22 =	sadd.s32 $0xF0, s2;
	s2 =	simm.s32 $0x3;
	s0 =	sadd.s32 s7, s0  }
0xf: {  	s14 =	sshrl.u32 s8, $0x3;
	s11 =	sadd.s32 $0x78, s8;
	s7 =	ssub.s32 s26, s10  }
0x10: {  	s8 =	sadd.s32 $0x27D8, s8;
	s26 =	sshrl.u32 s25, $0x3;
	s25 =	simm.s32 $0x180  }
0x11: {  	s15 =	sadd.s32 s4, s14;
	s16 =	sshrl.u32 s11, $0x3;
	s17 =	sadd.s32 s5, s14  }
0x12: {  	s0 =	sadd.s32 $0x44400, s0;
	s23 =	sshrl.u32 s8, $0x3;
	s7 =	smax.u32 s7, $0x1  }
0x13: {  	s24 =	sadd.s32 $0x4EC, s14;
	s20 =	sadd.s32 s26, s5;
	[dreg:$0x4] =	wrdreg s15  }
0x14: {  	s21 =	sadd.s32 s26, s4;
	s26 =	simm.s32 $0x5;
	[dreg:$0x5] =	wrdreg s17  }
0x15: {  	s8 =	simm.s32 $0x0;
	s18 =	sadd.s32 s4, s16;
	[dreg:$0x9] =	wrdreg s0  }
0x16: {  	s9 =	sadd.s32 s5, s16;
	[dreg:$0xa] =	wrdreg s7;
	s16 =	sadd.s32 s4, s23  }
0x17: {  	s17 =	sadd.s32 s5, s23;
	s19 =	sadd.s32 s5, s24;
	s23 =	simm.s32 $0x80  }
0x18: {  	s0 =	simm.s32 $0x3E00;
	s7 =	simm.s32 $0x4;
	[dreg:$0x6] =	wrdreg s18  }
0x19: {  	[dreg:$0x7] =	wrdreg s9;
	s18 =	sadd.s32 s4, s24;
	s24 =	simm.s32 $0x100  }
.LBB2_1:
0x1a: {  	s9 =	rddreg [dreg:$0x4]  }
0x1b: {  	s14 =	rddreg [dreg:$0x5]  }
0x1c: {  	[tilespmem:s3], [sflag:$0x1] =	stream.linear.gather [hbm4b:s9+s3], $0x78, $0x38;
	[tilespmem:$0x1BA00] =	vst v63  }
0x1d: {  	s15 =	rddreg [dreg:$0x6]  }
0x1e: {  	[tilespmem:s23], [sflag:$0x1] =	stream.linear.gather [hbm4b:s14+s3], $0x78, $0x38;
	[tilespmem:$0x1BA00] =	vst v63  }
0x1f: {  	s10 =	rddreg [dreg:$0x7]  }
0x20: {  	[tilespmem:s24], [sflag:$0x2] =	stream.linear.gather [hbm4b:s15+s3], $0x78, $0x38;
	[tilespmem:$0x1BA00] =	vst v63  }
0x21: {  	s11 =	rddreg [dreg:$0x8]  }
0x22: {  	[tilespmem:s25], [sflag:$0x2] =	stream.linear.gather [hbm4b:s10+s3], $0x78, $0x38;
	[tilespmem:$0x1BA00] =	vst v63  }
0x23: {  	s9 =	sshrl.u32 s11, $0x3;
	s10 =	rddreg [dreg:$0x3]  }
0x24: {  	[spmem:s9], [sflag:s13] =	dma.local [hbm:s10], $0x2800  }
0x25: {  	_ =	swait.ge [sflag:s26], $0x2800  }
0x26: {  	[sflag:s26] =	ssyncset.done $0x0  }
0x27: {  	[sflag:s26] =	ssyncadd.s32 $0xFFFFD800  }
0x28: {  	[bflag:$0x0] =	sbarrier.arrive $0xFFFF  }
0x29: {  	_ =	swait.ge [sflag:s28], $0x78  }
0x2a: {  	[sflag:s28] =	ssyncset.done $0x0  }
0x2b: {  	[sflag:s28] =	ssyncadd.s32 $0xFFFFFF88  }
0x2c: {  	_ =	swait.ge [sflag:s28], $0x78  }
0x2d: {  	[sflag:s28] =	ssyncset.done $0x0  }
0x2e: {  	[sflag:s28] =	ssyncadd.s32 $0xFFFFFF88  }
0x2f: {  	[tilespmem:s30], [sflag:$0x3] =	stream.indirect.gather [hbm4b:s6+s29], $0x80, s3, s29, $0xb8;
	[tilespmem:$0x1BA00] =	vst v63  }
0x30: {  	_ =	swait.ge [sflag:s31], $0x78  }
0x31: {  	[sflag:s31] =	ssyncset.done $0x0  }
0x32: {  	[sflag:s31] =	ssyncadd.s32 $0xFFFFFF88  }
0x33: {  	_ =	swait.ge [sflag:s31], $0x78  }
0x34: {  	[sflag:s31] =	ssyncset.done $0x0  }
0x35: {  	[sflag:s31] =	ssyncadd.s32 $0xFFFFFF88  }
0x36: {  	[tilespmem:s0], [sflag:$0x4] =	stream.indirect.gather [hbm4b:s6+s29], $0x80, s24, s29, $0xb8;
	[tilespmem:$0x1BA00] =	vst v63  }
0x37: {  	_ =	swait.ge [sflag:s2], $0x3C00  }
0x38: {  	[sflag:s2] =	ssyncset.done $0x0  }
0x39: {  	[sflag:s2] =	ssyncadd.s32 $0xFFFFC400  }
0x3a: {  	[spmem:s1] =	stream.indirect.scatter.add.f32 [tilespmem:s30], [sflag:$0x5], $0x80, s23, s29, $0xb8;
	[tilespmem:$0x1BA00] =	vst v63  }
0x3b: {  	_ =	swait.ge [sflag:s26], $0x3C00  }
0x3c: {  	s12 =	sshrl.u32 s22, $0x3;
	[sflag:s26] =	ssyncset.done $0x0  }
0x3d: {  	s11 =	sadd.s32 s4, s12;
	[sflag:s26] =	ssyncadd.s32 $0xFFFFC400  }
0x3e: {  	[tilespmem:s3], [sflag:$0x1] =	stream.linear.gather [hbm4b:s11+s3], $0x78, $0x38;
	[tilespmem:$0x1BA00] =	vst v63  }
0x3f: {  	s10 =	sadd.s32 s5, s12  }
0x40: {  	[tilespmem:s23], [sflag:$0x1] =	stream.linear.gather [hbm4b:s10+s3], $0x78, $0x38;
	[tilespmem:$0x1BA00] =	vst v63  }
0x41: {  	_ =	swait.ge [sflag:s7], $0x3C00  }
0x42: {  	[sflag:s7] =	ssyncset.done $0x0  }
0x43: {  	[sflag:s7] =	ssyncadd.s32 $0xFFFFC400  }
0x44: {  	[spmem:s1] =	stream.indirect.scatter.add.f32 [tilespmem:s0], [sflag:$0x5], $0x80, s25, s29, $0xb8;
	[tilespmem:$0x1BA00] =	vst v63  }
0x45: {  	_ =	swait.ge [sflag:s26], $0x3C00  }
0x46: {  	[sflag:s26] =	ssyncset.done $0x0  }
0x47: {  	s14 =	sadd.s32 $0x0, s21;
	[sflag:s26] =	ssyncadd.s32 $0xFFFFC400  }
0x48: {  	[tilespmem:s24], [sflag:$0x2] =	stream.linear.gather [hbm4b:s14+s3], $0x78, $0x38;
	[tilespmem:$0x1BA00] =	vst v63  }
0x49: {  	s15 =	sadd.s32 $0x0, s20  }
0x4a: {  	[tilespmem:s25], [sflag:$0x2] =	stream.linear.gather [hbm4b:s15+s3], $0x78, $0x38;
	[tilespmem:$0x1BA00] =	vst v63  }
0x4b: {  	_ =	swait.ge [sflag:s28], $0x78  }
0x4c: {  	[sflag:s28] =	ssyncset.done $0x0  }
0x4d: {  	[sflag:s28] =	ssyncadd.s32 $0xFFFFFF88  }
0x4e: {  	_ =	swait.ge [sflag:s28], $0x78  }
0x4f: {  	[sflag:s28] =	ssyncset.done $0x0  }
0x50: {  	s11 =	sadd.s32 $0xF0, s22;
	s10 =	simm.s32 $0x1E;
	[sflag:s28] =	ssyncadd.s32 $0xFFFFFF88  }
.LBB2_2:
0x51: {  	[tilespmem:s30], [sflag:$0x3] =	stream.indirect.gather [hbm4b:s6+s29], $0x80, s3, s29, $0xb8;
	[tilespmem:$0x1BA00] =	vst v63  }
0x52: {  	s12 =	smov.u32 s10  }
0x53: {  	p0 =	sne.s32 s10, $0x4B0;
	s10 =	sadd.s32 $0x1E, s10;
	_ =	swait.ge [sflag:s31], $0x78  }
0x54: {  	[sflag:s31] =	ssyncset.done $0x0  }
0x55: {  	[sflag:s31] =	ssyncadd.s32 $0xFFFFFF88  }
0x56: {  	_ =	swait.ge [sflag:s31], $0x78  }
0x57: {  	[sflag:s31] =	ssyncset.done $0x0  }
0x58: {  	[sflag:s31] =	ssyncadd.s32 $0xFFFFFF88  }
0x59: {  	[tilespmem:s0], [sflag:$0x4] =	stream.indirect.gather [hbm4b:s6+s29], $0x80, s24, s29, $0xb8;
	[tilespmem:$0x1BA00] =	vst v63  }
0x5a: {  	_ =	swait.ge [sflag:s2], $0x3C00  }
0x5b: {  	[sflag:s2] =	ssyncset.done $0x0  }
0x5c: {  	[sflag:s2] =	ssyncadd.s32 $0xFFFFC400  }
0x5d: {  	[spmem:s1] =	stream.indirect.scatter.add.f32 [tilespmem:s30], [sflag:$0x5], $0x80, s23, s29, $0xb8;
	[tilespmem:$0x1BA00] =	vst v63  }
0x5e: {  	_ =	swait.ge [sflag:s26], $0x3C00  }
0x5f: {  	s14 =	sshrl.u32 s11, $0x3;
	[sflag:s26] =	ssyncset.done $0x0  }
0x60: {  	s15 =	sadd.s32 s4, s14;
	[sflag:s26] =	ssyncadd.s32 $0xFFFFC400  }
0x61: {  	[tilespmem:s3], [sflag:$0x1] =	stream.linear.gather [hbm4b:s15+s3], $0x78, $0x38;
	[tilespmem:$0x1BA00] =	vst v63  }
0x62: {  	s14 =	sadd.s32 s5, s14  }
0x63: {  	[tilespmem:s23], [sflag:$0x1] =	stream.linear.gather [hbm4b:s14+s3], $0x78, $0x38;
	[tilespmem:$0x1BA00] =	vst v63  }
0x64: {  	_ =	swait.ge [sflag:s7], $0x3C00  }
0x65: {  	[sflag:s7] =	ssyncset.done $0x0  }
0x66: {  	[sflag:s7] =	ssyncadd.s32 $0xFFFFC400  }
0x67: {  	[spmem:s1] =	stream.indirect.scatter.add.f32 [tilespmem:s0], [sflag:$0x5], $0x80, s25, s29, $0xb8;
	[tilespmem:$0x1BA00] =	vst v63  }
0x68: {  	_ =	swait.ge [sflag:s26], $0x3C00  }
0x69: {  	[sflag:s26] =	ssyncset.done $0x0  }
0x6a: {  	s14 =	sadd.s32 s12, s21;
	[sflag:s26] =	ssyncadd.s32 $0xFFFFC400  }
0x6b: {  	[tilespmem:s24], [sflag:$0x2] =	stream.linear.gather [hbm4b:s14+s3], $0x78, $0x38;
	[tilespmem:$0x1BA00] =	vst v63  }
0x6c: {  	s12 =	sadd.s32 s12, s20  }
0x6d: {  	[tilespmem:s25], [sflag:$0x2] =	stream.linear.gather [hbm4b:s12+s3], $0x78, $0x38;
	[tilespmem:$0x1BA00] =	vst v63  }
0x6e: {  	_ =	swait.ge [sflag:s28], $0x78  }
.Ltmp0:
0x6f: {  	[sflag:s28] =	ssyncset.done $0x0;
	(pc) =	sbr.rel @p0 .LBB2_2-.Ltmp0, $4  }
0x70: {  	[sflag:s28] =	ssyncadd.s32 $0xFFFFFF88  }
0x71: {  	_ =	swait.ge [sflag:s28], $0x78  }
0x72: {  	[sflag:s28] =	ssyncset.done $0x0  }
0x73: {  	s11 =	sadd.s32 $0xF0, s11;
	[sflag:s28] =	ssyncadd.s32 $0xFFFFFF88  }
0x74: {  	[tilespmem:s30], [sflag:$0x3] =	stream.indirect.gather [hbm4b:s6+s29], $0x80, s3, s29, $0xb8;
	[tilespmem:$0x1BA00] =	vst v63  }
0x75: {  	_ =	swait.ge [sflag:s31], $0x78  }
0x76: {  	[sflag:s31] =	ssyncset.done $0x0  }
0x77: {  	[sflag:s31] =	ssyncadd.s32 $0xFFFFFF88  }
0x78: {  	_ =	swait.ge [sflag:s31], $0x78  }
0x79: {  	[sflag:s31] =	ssyncset.done $0x0  }
0x7a: {  	[sflag:s31] =	ssyncadd.s32 $0xFFFFFF88  }
0x7b: {  	[tilespmem:s0], [sflag:$0x4] =	stream.indirect.gather [hbm4b:s6+s29], $0x80, s24, s29, $0xb8;
	[tilespmem:$0x1BA00] =	vst v63  }
0x7c: {  	_ =	swait.ge [sflag:s2], $0x3C00  }
0x7d: {  	[sflag:s2] =	ssyncset.done $0x0  }
0x7e: {  	[sflag:s2] =	ssyncadd.s32 $0xFFFFC400  }
0x7f: {  	[spmem:s1] =	stream.indirect.scatter.add.f32 [tilespmem:s30], [sflag:$0x5], $0x80, s23, s29, $0xb8;
	[tilespmem:$0x1BA00] =	vst v63  }
0x80: {  	_ =	swait.ge [sflag:s26], $0x3C00  }
0x81: {  	[sflag:s26] =	ssyncset.done $0x0  }
0x82: {  	[sflag:s26] =	ssyncadd.s32 $0xFFFFC400  }
0x83: {  	[tilespmem:s3], [sflag:$0x1] =	stream.linear.gather [hbm4b:s18+s3], $0x78, $0x38;
	[tilespmem:$0x1BA00] =	vst v63  }
0x84: {  	_ = 	snop  }
0x85: {  	[tilespmem:s23], [sflag:$0x1] =	stream.linear.gather [hbm4b:s19+s3], $0x78, $0x38;
	[tilespmem:$0x1BA00] =	vst v63  }
0x86: {  	_ =	swait.ge [sflag:s7], $0x3C00  }
0x87: {  	[sflag:s7] =	ssyncset.done $0x0  }
0x88: {  	[sflag:s7] =	ssyncadd.s32 $0xFFFFC400  }
0x89: {  	[spmem:s1] =	stream.indirect.scatter.add.f32 [tilespmem:s0], [sflag:$0x5], $0x80, s25, s29, $0xb8;
	[tilespmem:$0x1BA00] =	vst v63  }
0x8a: {  	_ =	swait.ge [sflag:s26], $0x3C00  }
0x8b: {  	[sflag:s26] =	ssyncset.done $0x0  }
0x8c: {  	[sflag:s26] =	ssyncadd.s32 $0xFFFFC400  }
0x8d: {  	[tilespmem:s24], [sflag:$0x2] =	stream.linear.gather [hbm4b:s16+s3], $0x78, $0x38;
	[tilespmem:$0x1BA00] =	vst v63  }
0x8e: {  	_ = 	snop  }
0x8f: {  	[tilespmem:s25], [sflag:$0x2] =	stream.linear.gather [hbm4b:s17+s3], $0x78, $0x38;
	[tilespmem:$0x1BA00] =	vst v63  }
0x90: {  	_ =	swait.ge [sflag:s28], $0x78  }
0x91: {  	[sflag:s28] =	ssyncset.done $0x0  }
0x92: {  	[sflag:s28] =	ssyncadd.s32 $0xFFFFFF88  }
0x93: {  	_ =	swait.ge [sflag:s28], $0x78  }
0x94: {  	[sflag:s28] =	ssyncset.done $0x0  }
0x95: {  	[sflag:s28] =	ssyncadd.s32 $0xFFFFFF88  }
0x96: {  	[tilespmem:s30], [sflag:$0x3] =	stream.indirect.gather [hbm4b:s6+s29], $0x80, s3, s29, $0xb8;
	[tilespmem:$0x1BA00] =	vst v63  }
0x97: {  	_ =	swait.ge [sflag:s31], $0x78  }
0x98: {  	[sflag:s31] =	ssyncset.done $0x0  }
0x99: {  	[sflag:s31] =	ssyncadd.s32 $0xFFFFFF88  }
0x9a: {  	_ =	swait.ge [sflag:s31], $0x78  }
0x9b: {  	[sflag:s31] =	ssyncset.done $0x0  }
0x9c: {  	[sflag:s31] =	ssyncadd.s32 $0xFFFFFF88  }
0x9d: {  	[tilespmem:s0], [sflag:$0x4] =	stream.indirect.gather [hbm4b:s6+s29], $0x80, s24, s29, $0xb8;
	[tilespmem:$0x1BA00] =	vst v63  }
0x9e: {  	_ =	swait.ge [sflag:s2], $0x3C00  }
0x9f: {  	[sflag:s2] =	ssyncset.done $0x0  }
0xa0: {  	[sflag:s2] =	ssyncadd.s32 $0xFFFFC400  }
0xa1: {  	[spmem:s1] =	stream.indirect.scatter.add.f32 [tilespmem:s30], [sflag:$0x5], $0x80, s23, s29, $0xb8;
	[tilespmem:$0x1BA00] =	vst v63  }
0xa2: {  	_ =	swait.ge [sflag:s26], $0x3C00  }
0xa3: {  	[sflag:s26] =	ssyncset.done $0x0  }
0xa4: {  	[sflag:s26] =	ssyncadd.s32 $0xFFFFC400  }
0xa5: {  	[tilespmem:s3], [sflag:$0x1] =	stream.linear.gather [hbm4b:s16+s3], $0x78, $0x38;
	[tilespmem:$0x1BA00] =	vst v63  }
0xa6: {  	_ = 	snop  }
0xa7: {  	[tilespmem:s23], [sflag:$0x1] =	stream.linear.gather [hbm4b:s17+s3], $0x78, $0x38;
	[tilespmem:$0x1BA00] =	vst v63  }
0xa8: {  	_ =	swait.ge [sflag:s7], $0x3C00  }
0xa9: {  	[sflag:s7] =	ssyncset.done $0x0  }
0xaa: {  	[sflag:s7] =	ssyncadd.s32 $0xFFFFC400  }
0xab: {  	[spmem:s1] =	stream.indirect.scatter.add.f32 [tilespmem:s0], [sflag:$0x5], $0x80, s25, s29, $0xb8;
	[tilespmem:$0x1BA00] =	vst v63  }
0xac: {  	_ =	swait.ge [sflag:s26], $0x3C00  }
0xad: {  	[sflag:s26] =	ssyncset.done $0x0  }
0xae: {  	[sflag:s26] =	ssyncadd.s32 $0xFFFFC400  }
0xaf: {  	[tilespmem:s24], [sflag:$0x2] =	stream.linear.gather [hbm4b:s16+s3], $0x78, $0x38;
	[tilespmem:$0x1BA00] =	vst v63  }
0xb0: {  	_ = 	snop  }
0xb1: {  	[tilespmem:s25], [sflag:$0x2] =	stream.linear.gather [hbm4b:s17+s3], $0x78, $0x38;
	[tilespmem:$0x1BA00] =	vst v63  }
0xb2: {  	_ =	swait.ge [sflag:s28], $0x78  }
0xb3: {  	[sflag:s28] =	ssyncset.done $0x0  }
0xb4: {  	[sflag:s28] =	ssyncadd.s32 $0xFFFFFF88  }
0xb5: {  	_ =	swait.ge [sflag:s28], $0x78  }
0xb6: {  	[sflag:s28] =	ssyncset.done $0x0  }
0xb7: {  	[sflag:s28] =	ssyncadd.s32 $0xFFFFFF88  }
0xb8: {  	[tilespmem:s30], [sflag:$0x3] =	stream.indirect.gather [hbm4b:s6+s29], $0x80, s3, s29, $0xb8;
	[tilespmem:$0x1BA00] =	vst v63  }
0xb9: {  	_ =	swait.ge [sflag:s2], $0x3C00  }
0xba: {  	[sflag:s2] =	ssyncset.done $0x0  }
0xbb: {  	[sflag:s2] =	ssyncadd.s32 $0xFFFFC400  }
0xbc: {  	_ =	swait.ge [sflag:s31], $0x78  }
0xbd: {  	[sflag:s31] =	ssyncset.done $0x0  }
0xbe: {  	[sflag:s31] =	ssyncadd.s32 $0xFFFFFF88  }
0xbf: {  	_ =	swait.ge [sflag:s31], $0x78  }
0xc0: {  	[sflag:s31] =	ssyncset.done $0x0  }
0xc1: {  	[sflag:s31] =	ssyncadd.s32 $0xFFFFFF88  }
0xc2: {  	[bflag:$0x0] =	sbarrier.arrive $0xFFFF  }
0xc3: {  	s10 =	rddreg [dreg:$0x9]  }
0xc4: {  	[hbm:s10], [sflag:s13] =	dma.local [spmem:s9], $0x2800  }
0xc5: {  	_ =	swait.ge [sflag:s26], $0x2800  }
0xc6: {  	s8 =	sadd.s32 $0x1, s8;
	s15 =	rddreg [dreg:$0xa]  }
0xc7: {  	p0 =	sne.s32 s8, s15  }
.Ltmp1:
0xc8: {  	_ = 	snop;
	(pc) =	sbr.rel @p0 .LBB2_1-.Ltmp1, $3  }
0xc9: {  	_ =	sdelay $0x1  }
0xca: {  	[sflag:s26] =	ssyncset.done $0x0  }
0xcb: {  	[sflag:s26] =	ssyncadd.s32 $0xFFFFD800  }
0xcc: {  	_ =	sfence.sel $0x180000  }
0xcd: {  	[bflag:$0x0] =	sbarrier.arrive $0xFFFF  }
0xce: {  	_ =	strace $0x90000047  }
0xcf: {  	s0 =	stileid.u32;
	[bflag:$0x2] =	sbarrier.arrive $0xFFFF  }
0xd0: {  	p0 =	sne.s32 s0, $0x0;
	s0 =	rddreg [dreg:$0x2]  }
0xd1: {  	s0 =	sadd.s32 @!p0 $0x100000, s0  }
0xd2: {  	[sflag:s0] =	ssyncadd.tile.s32 @!p0 $0x1;
	_ =	shalt  }
.Lfunc_end2:
_tile_overlayer_lowered:
.L_overlay_start_2:
0xd3: {  	(tag) =	ssettag $0x2  }
0xd4: {  	s0 =	rddreg [dreg:$0x0];
	s2 =	stileid.u32  }
0xd5: {  	s1 =	rddreg [dreg:$0x1];
	p0 =	sne.s32 s2, $0x0  }
0xd6: {  	s3 =	rddreg [dreg:$0x2];
	[bflag:$0x3] =	sbarrier.arrive $0xFFFF;
	s2 =	simm.s32 @!p0 $0x1C05  }
0xd7: {  	[timem:s3], [sflag:s2] =	dma.local @!p0 [hbm:s0], s1  }
0xd8: {  	s0 =	simm.s32 @!p0 $0x5  }
0xd9: {  	_ =	swait.ge @!p0 [sflag:s0], s1  }
0xda: {  	s1 =	ssub.s32 @!p0 $0x0, s1;
	[sflag:s0] =	ssyncset.done @!p0 $0x0  }
0xdb: {  	[sflag:s0] =	ssyncadd.s32 @!p0 s1  }
0xdc: {  	[bflag:$0x3] =	sbarrier.arrive $0xFFFF  }
0xdd: {  	_ =	shalt  }

// kernel: kernel.13.cloned.1.call-start
scs
__scs_entry_jumppad:
0x0: {  	(pc) =	sbr.rel $0x88, $3  }
0x1: {  	(tag) =	ssettag $0x0;
	lr =	simm.s32 $0x1  }
0x2: {  	[smem:$0x3F80] =	sst lr;
	_ =	strace $0xD0000000  }
0x3: {  	_ = 	snop  }
0x4: {  	_ = 	snop  }
0x5: {  	_ = 	snop  }
0x6: {  	_ = 	snop  }
0x7: {  	_ = 	snop  }
__scs_overlays_trampoline_lowered:
0x8: {  	[smem:$0x3F8F] =	sst s0  }
0x9: {  	[smem:$0x3F90] =	sst s1  }
0xa: {  	[smem:$0x3F91] =	sst s2  }
0xb: {  	[smem:$0x3F92] =	sst s3  }
0xc: {  	[smem:$0x3F93] =	sst s4  }
0xd: {  	[smem:$0x3F94] =	sst s5  }
0xe: {  	[smem:$0x3F95] =	sst s6  }
0xf: {  	[smem:$0x3F96] =	sst s7  }
0x10: {  	[smem:$0x3F97] =	sst s8  }
0x11: {  	[smem:$0x3F98] =	sst s9;
	s0 =	simm.s32 @!p0 $0x0  }
0x12: {  	s1 =	sld [smem:$0x3F7E];
	s0 =	simm.s32 @p0 $0x1  }
0x13: {  	[smem:$0x3F99] =	sst s0;
	s0 =	simm.s32 @!p1 $0x0  }
0x14: {  	s2 =	sld [smem:$0x3F7D];
	s0 =	simm.s32 @p1 $0x1  }
0x15: {  	[smem:$0x3F9A] =	sst s0;
	s0 =	simm.s32 @!p2 $0x0  }
0x16: {  	s3 =	sld [smem:$0x3FDB];
	s0 =	simm.s32 @p2 $0x1  }
0x17: {  	s4 =	simm.s32 $0x1BF5;
	[smem:$0x3F9C] =	sst s0  }
0x18: {  	s0 =	sld [smem:$0x3F7F];
	_ =	swait.ge [sflag:s4], $0x0  }
0x19: {  	s7 =	sld [smem:$0x3F80]  }
0x1a: {  	s8 =	sadd.s32 $0xFFFFE003, lr  }
0x1b: {  	s9 =	sadd.s32 $0xFFFFFEF7, lr;
	s5 =	simm.s32 $0xFFFFFFFF;
	p2 =	slt.u32 s8, $0xFFFFF086  }
0x1c: {  	p1 =	slt.u32 s9, $0xF7A;
	s5 =	simm.s32 @!p2 $0x0  }
0x1d: {  	s5 =	simm.s32 @p1 $0x1;
	p0 =	seq.s32 s7, s2  }
0x1e: {  	s7 =	smul.u32 @!p0 $0xF7A, s2;
	p2 =	seq.s32 @!p0 s5, $0x0  }
0x1f: {  	s9 =	smul.u32 $0xF7A, s1;
	s8 =	simm.s32 @!p0 $0x1BF5;
	p2 =	por !p2, p0  }
0x20: {  	[sflag:s8] =	ssyncset.s32 @!p0 $0xFFFFF086;
	s6 =	sadd.s32 @!p0 s3, s7;
	s7 =	simm.s32 @!p0 $0x108  }
0x21: {  	s3 =	sadd.s32 s3, s9;
	s6 =	sadd.s32 @!p0 $0x88, s6;
	s7 =	simm.s32 @p2 $0x1082  }
0x22: {  	[simem:s7], [sflag:s8] =	dma.local @!p0 [hbm:s6], $0xF7A  }
0x23: {  	s9 =	sor.u32 $0xD0000000, s2;
	s6 =	simm.s32 $0x108;
	_ =	swait.ge @!p0 [sflag:s8], $0x0  }
0x24: {  	s3 =	sadd.s32 $0x88, s3;
	s6 =	simm.s32 @!p1 $0x1082;
	[sflag:s4] =	ssyncset.s32 $0xFFFFF086  }
0x25: {  	[simem:s6], [sflag:s4] =	dma.local [hbm:s3], $0xF7A  }
0x26: {  	[smem:$0x3F80] =	sst s1;
	(tag) =	ssettag s2;
	_ =	strace s9  }
0x27: {  	s1 =	sld [smem:$0x3F90]  }
0x28: {  	s2 =	sld [smem:$0x3F91]  }
0x29: {  	s4 =	sld [smem:$0x3F93]  }
0x2a: {  	p0 =	seq.s32 s5, $0x0;
	s5 =	sld [smem:$0x3F94]  }
0x2b: {  	s6 =	sld [smem:$0x3F95]  }
0x2c: {  	s7 =	sld [smem:$0x3F96]  }
0x2d: {  	s3 =	simm.s32 $0x108;
	s8 =	sld [smem:$0x3F97]  }
0x2e: {  	s3 =	simm.s32 @!p0 $0x1082;
	s9 =	sld [smem:$0x3F98]  }
0x2f: {  	lr =	sadd.s32 s0, s3;
	s0 =	sld [smem:$0x3F8F]  }
0x30: {  	s3 =	sld [smem:$0x3F92]  }
0x31: {  	[smem:$0x3F9B] =	sst s10  }
0x32: {  	s10 =	sld [smem:$0x3F99];
	_ =	sdelay $0x3  }
0x33: {  	p0 =	seq.s32 s10, $0x1;
	s10 =	sld [smem:$0x3F9B];
	_ =	sdelay $0x3  }
0x34: {  	[smem:$0x3F9B] =	sst s10  }
0x35: {  	s10 =	sld [smem:$0x3F9A];
	_ =	sdelay $0x3  }
0x36: {  	p1 =	seq.s32 s10, $0x1;
	s10 =	sld [smem:$0x3F9B];
	_ =	sdelay $0x3  }
0x37: {  	[smem:$0x3F9B] =	sst s10  }
0x38: {  	s10 =	sld [smem:$0x3F9C]  }
0x39: {  	_ = 	snop;
	(pc) =	sbr.ind lr, $3  }
0x3a: {  	_ = 	snop  }
0x3b: {  	_ = 	snop  }
0x3c: {  	p2 =	seq.s32 s10, $0x1;
	s10 =	sld [smem:$0x3F9B]  }
0x3d: {  	_ =	shalt  }
0x3e: {  	_ =	shalt  }
0x3f: {  	_ =	shalt  }
0x40: {  	_ =	shalt  }
0x41: {  	_ =	shalt  }
0x42: {  	_ =	shalt  }
0x43: {  	_ =	shalt  }
0x44: {  	_ =	shalt  }
0x45: {  	_ =	shalt  }
0x46: {  	_ =	shalt  }
0x47: {  	_ =	shalt  }
0x48: {  	_ =	shalt  }
0x49: {  	_ =	shalt  }
0x4a: {  	_ =	shalt  }
0x4b: {  	_ =	shalt  }
0x4c: {  	_ =	shalt  }
0x4d: {  	_ =	shalt  }
0x4e: {  	_ =	shalt  }
0x4f: {  	_ =	shalt  }
0x50: {  	_ =	shalt  }
0x51: {  	_ =	shalt  }
0x52: {  	_ =	shalt  }
0x53: {  	_ =	shalt  }
0x54: {  	_ =	shalt  }
0x55: {  	_ =	shalt  }
0x56: {  	_ =	shalt  }
0x57: {  	_ =	shalt  }
0x58: {  	_ =	shalt  }
0x59: {  	_ =	shalt  }
0x5a: {  	_ =	shalt  }
0x5b: {  	_ =	shalt  }
0x5c: {  	_ =	shalt  }
0x5d: {  	_ =	shalt  }
0x5e: {  	_ =	shalt  }
0x5f: {  	_ =	shalt  }
0x60: {  	_ =	shalt  }
0x61: {  	_ =	shalt  }
0x62: {  	_ =	shalt  }
0x63: {  	_ =	shalt  }
0x64: {  	_ =	shalt  }
0x65: {  	_ =	shalt  }
0x66: {  	_ =	shalt  }
0x67: {  	_ =	shalt  }
0x68: {  	_ =	shalt  }
0x69: {  	_ =	shalt  }
0x6a: {  	_ =	shalt  }
0x6b: {  	_ =	shalt  }
0x6c: {  	_ =	shalt  }
0x6d: {  	_ =	shalt  }
0x6e: {  	_ =	shalt  }
0x6f: {  	_ =	shalt  }
0x70: {  	_ =	shalt  }
0x71: {  	_ =	shalt  }
0x72: {  	_ =	shalt  }
0x73: {  	_ =	shalt  }
0x74: {  	_ =	shalt  }
0x75: {  	_ =	shalt  }
0x76: {  	_ =	shalt  }
0x77: {  	_ =	shalt  }
0x78: {  	_ =	shalt  }
0x79: {  	_ =	shalt  }
0x7a: {  	_ =	shalt  }
0x7b: {  	_ =	shalt  }
0x7c: {  	_ =	shalt  }
0x7d: {  	_ =	shalt  }
0x7e: {  	_ =	shalt  }
0x7f: {  	_ =	shalt  }
0x80: {  	_ =	shalt  }
0x81: {  	_ =	shalt  }
0x82: {  	_ =	shalt  }
0x83: {  	_ =	shalt  }
0x84: {  	_ =	shalt  }
0x85: {  	_ =	shalt  }
0x86: {  	_ =	shalt  }
0x87: {  	_ =	shalt  }
.Lfunc_end0:
.L_simem_size_0:
called_computation.1_lowered:
.L_overlay_start_0:
0x88: {  	s2 =	sld [smem:$0x3FD9]  }
0x89: {  	s3 =	sld [smem:$0x3FFE];
	_ =	sdelay $0x1  }
0x8a: {  	s1 =	srdreg.scid  }
0x8b: {  	s0 =	sand.u32 $0x1, s1  }
0x8c: {  	s16 =	sshll.u32 s0, $0xA;
	s2 =	sadd.s32 s3, s2  }
0x8d: {  	s2 =	sadd.s32 s2, s16  }
0x8e: {  	[smem:$0x3FA7] =	sst s2  }
0x8f: {  	_ = 	snop  }
0x90: {  	(tm) =	ssettm $0x1  }
0x91: {  	s17 =	sld [smem:$0x3FFB];
	_ =	sdelay $0x3  }
0x92: {  	_ =	strace s17  }
0x93: {  	s2 =	sld [smem:$0x3FFC];
	_ =	sdelay $0x3  }
0x94: {  	_ =	strace s2  }
0x95: {  	s2 =	sld [smem:$0x3FFD];
	_ =	sdelay $0x3  }
0x96: {  	_ =	strace s2  }
0x97: {  	_ =	strace $0x8FFFFFFF  }
0x98: {  	s18 =	sld [smem:$0x3FDB];
	_ =	sdelay $0x1  }
0x99: {  	s19 =	simm.s32 $_scs_section_size  }
0x9a: {  	s4 =	simm.s32 $_size__tile_overlayer_lowered;
	s5 =	simm.s32 $_tile_overlayer_lowered  }
0x9b: {  	s22 =	simm.s32 $0x1BFF;
	s21 =	sshll.u32 s5, $0x1;
	s2 =	sadd.s32 s19, s18  }
0x9c: {  	s6 =	simm.s32 $0x0;
	s20 =	sshll.u32 s4, $0x1;
	s4 =	sadd.s32 s21, s2  }
0x9d: {  	[timem:s6], [sflag:s22] =	dma.local [hbm:s4], s20  }
0x9e: {  	_ =	swait.ge [sflag:s22], s20  }
0x9f: {  	s3 =	ssub.s32 $0x0, s20;
	[sflag:s22] =	ssyncset.done $0x0  }
0xa0: {  	[sflag:s22] =	ssyncadd.s32 s3;
	_ =	sdelay $0x1  }
0xa1: {  	s23 =	simm.s32 $0x1B8B  }
0xa2: {  	_ =	swait.ge [sflag:s23], $0x1  }
0xa3: {  	[sflag:s23] =	ssyncset.done $0x0  }
0xa4: {  	s25 =	simm.s32 $0x1B8E;
	s24 =	sld [smem:$0x3FFE];
	[sflag:s23] =	ssyncadd.s32 $0xFFFFFFFF  }
0xa5: {  	s26 =	simm.s32 $execute0_lowered;
	[smem:$0x3FD2] =	sst s25  }
0xa6: {  	s4 =	sshll.u32 s26, $0x1;
	_ =	strace $0x80000049;
	[dreg:$0x1] =	wrdreg $0xFFFFFFFF  }
0xa7: {  	s28 =	simm.s32 $_size_execute0_lowered;
	s2 =	sadd.s32 s2, s4;
	[dreg:$0x0] =	wrdreg $0x0  }
0xa8: {  	s4 =	sshll.u32 s28, $0x1;
	[dreg:$0x2] =	wrdreg s2  }
0xa9: {  	[dreg:$0x3] =	wrdreg s4  }
0xaa: {  	[dreg:$0x4] =	wrdreg $0xC0  }
0xab: {  	_ =	task [dreg:s6], $0x5FFFF  }
0xac: {  	[dreg:$0x1] =	wrdreg $0xFFFFFFFF  }
0xad: {  	[dreg:$0x0] =	wrdreg $0x60  }
0xae: {  	[dreg:$0x2] =	wrdreg s24  }
0xaf: {  	[dreg:$0x3] =	wrdreg $0x7A000  }
0xb0: {  	[dreg:$0x4] =	wrdreg $0x9  }
0xb1: {  	_ =	task.clear_ibuf [dreg:s6], $0x5FFFF;
	_ =	strace $0x90000049  }
0xb2: {  	s29 =	simm.s32 $0x9;
	_ =	strace $0x8000004B  }
0xb3: {  	_ =	swait.ge [sflag:s29], $0x1  }
0xb4: {  	[sflag:s29] =	ssyncadd.s32 $0xFFFFFFFF  }
0xb5: {  	_ =	strace $0x9000004B  }
0xb6: {  	_ =	sfence  }
0xb7: {  	s30 =	sld [smem:$0x0];
	_ =	sdelay $0x2  }
0xb8: {  	s31 =	sshll.u32 s1, $0xD;
	s1 =	sshrl.u32 s1, $0x2  }
0xb9: {  	s3 =	sand.u32 $0x4000, s31;
	s1 =	sadd.s32 s1, s30  }
0xba: {  	s0 =	sor.u32 s3, s0;
	s1 =	sshll.u32 s1, $0x11  }
0xbb: {  	s0 =	sor.u32 s1, s0  }
0xbc: {  	s0 =	sadd.s32 $0x8F2B, s0  }
0xbd: {  	[sflag:s0] =	ssyncadd.remote.s32 $0x1  }
0xbe: {  	_ =	sfence.sel $0xFFFF  }
0xbf: {  	[dreg:$0x0] =	wrdreg $0xFFFFFFFF;
	(pc) =	sbr.abs _section_cstart, $3  }
0xc0: {  	[dreg:$0x1] =	wrdreg $0xFFFFFFFF  }
0xc1: {  	_ =	task.clear_ibuf [dreg:s6], $0x2FFFF;
	_ =	strace $0x9FFFFFFF  }
0xc2: {  	(tm) =	ssettm $0x7FFFFFFF  }
0xc3: {  	_ =	shalt  }
tec
execute0_lowered:
.L_overlay_start_1:
0x0: {  	(tag) =	ssettag $0x1  }
0x1: {  	s0 =	rddreg [dreg:$0x0]  }
0x2: {  	s1 =	rddreg [dreg:$0x1];
	s3 =	simm.s32 $0x0  }
0x3: {  	s2 =	srdreg.scid;
	s13 =	stileid.u32;
	s28 =	simm.s32 $0x1  }
0x4: {  	s29 =	simm.s32 $0x78;
	s30 =	simm.s32 $0x200;
	s31 =	simm.s32 $0x2  }
0x5: {  	[smem:$0x7FF] =	sst s3;
	s2 =	sand.u32 $0x1, s2;
	s8 =	smul.u32 $0x14000, s13  }
0x6: {  	s4 =	sadd.s32 $0x37A00, s0;
	s5 =	sadd.s32 $0x2D800, s0;
	s12 =	smul.u32 $0x50000, s13  }
0x7: {  	s9 =	sshll.u32 s13, $0x1;
	s6 =	sadd.s32 $0x5800, s0;
	s21 =	smul.u32 $0x50A0, s13  }
0x8: {  	s10 =	sadd.s32 $0x41C00, s0;
	s22 =	sshll.u32 s13, $0x6;
	s7 =	smul.u32 $0x140000, s2  }
0x9: {  	_ =	strace $0x8000004A;
	s25 =	sor.u32 s2, s9;
	s26 =	ssub.s32 $0x2, s2  }
0xa: {  	[dreg:$0x3] =	wrdreg s10;
	s2 =	smul.u32 $0x2850, s2;
	s13 =	sor.u32 $0x1C05, s22  }
0xb: {  	s10 =	sshrl.u32 s26, $0x1;
	s19 =	sshrl.u32 s12, $0x2;
	s7 =	sadd.s32 s8, s7  }
0xc: {  	s8 =	smul.u32 $0x2850, s25;
	s20 =	sadd.s32 s19, s1;
	s2 =	sadd.s32 s2, s21  }
0xd: {  	s7 =	sshrl.u32 s7, $0x3;
	[dreg:$0x8] =	wrdreg s20;
	s25 =	sadd.s32 $0x168, s2  }
0xe: {  	s22 =	sadd.s32 $0xF0, s2;
	s2 =	simm.s32 $0x3;
	s0 =	sadd.s32 s7, s0  }
0xf: {  	s14 =	sshrl.u32 s8, $0x3;
	s11 =	sadd.s32 $0x78, s8;
	s7 =	ssub.s32 s26, s10  }
0x10: {  	s8 =	sadd.s32 $0x27D8, s8;
	s26 =	sshrl.u32 s25, $0x3;
	s25 =	simm.s32 $0x180  }
0x11: {  	s15 =	sadd.s32 s4, s14;
	s16 =	sshrl.u32 s11, $0x3;
	s17 =	sadd.s32 s5, s14  }
0x12: {  	s0 =	sadd.s32 $0x44400, s0;
	s23 =	sshrl.u32 s8, $0x3;
	s7 =	smax.u32 s7, $0x1  }
0x13: {  	s24 =	sadd.s32 $0x4EC, s14;
	s20 =	sadd.s32 s26, s5;
	[dreg:$0x4] =	wrdreg s15  }
0x14: {  	s21 =	sadd.s32 s26, s4;
	s26 =	simm.s32 $0x5;
	[dreg:$0x5] =	wrdreg s17  }
0x15: {  	s8 =	simm.s32 $0x0;
	s18 =	sadd.s32 s4, s16;
	[dreg:$0x9] =	wrdreg s0  }
0x16: {  	s9 =	sadd.s32 s5, s16;
	[dreg:$0xa] =	wrdreg s7;
	s16 =	sadd.s32 s4, s23  }
0x17: {  	s17 =	sadd.s32 s5, s23;
	s19 =	sadd.s32 s5, s24;
	s23 =	simm.s32 $0x80  }
0x18: {  	s0 =	simm.s32 $0x3E00;
	s7 =	simm.s32 $0x4;
	[dreg:$0x6] =	wrdreg s18  }
0x19: {  	[dreg:$0x7] =	wrdreg s9;
	s18 =	sadd.s32 s4, s24;
	s24 =	simm.s32 $0x100  }
.LBB2_1:
0x1a: {  	s9 =	rddreg [dreg:$0x4]  }
0x1b: {  	s14 =	rddreg [dreg:$0x5]  }
0x1c: {  	[tilespmem:s3], [sflag:$0x1] =	stream.linear.gather [hbm4b:s9+s3], $0x78, $0x38;
	[tilespmem:$0x1BA00] =	vst v63  }
0x1d: {  	s15 =	rddreg [dreg:$0x6]  }
0x1e: {  	[tilespmem:s23], [sflag:$0x1] =	stream.linear.gather [hbm4b:s14+s3], $0x78, $0x38;
	[tilespmem:$0x1BA00] =	vst v63  }
0x1f: {  	s10 =	rddreg [dreg:$0x7]  }
0x20: {  	[tilespmem:s24], [sflag:$0x2] =	stream.linear.gather [hbm4b:s15+s3], $0x78, $0x38;
	[tilespmem:$0x1BA00] =	vst v63  }
0x21: {  	s11 =	rddreg [dreg:$0x8]  }
0x22: {  	[tilespmem:s25], [sflag:$0x2] =	stream.linear.gather [hbm4b:s10+s3], $0x78, $0x38;
	[tilespmem:$0x1BA00] =	vst v63  }
0x23: {  	s9 =	sshrl.u32 s11, $0x3;
	s10 =	rddreg [dreg:$0x3]  }
0x24: {  	[spmem:s9], [sflag:s13] =	dma.local [hbm:s10], $0x2800  }
0x25: {  	_ =	swait.ge [sflag:s26], $0x2800  }
0x26: {  	[sflag:s26] =	ssyncset.done $0x0  }
0x27: {  	[sflag:s26] =	ssyncadd.s32 $0xFFFFD800  }
0x28: {  	[bflag:$0x0] =	sbarrier.arrive $0xFFFF  }
0x29: {  	_ =	swait.ge [sflag:s28], $0x78  }
0x2a: {  	[sflag:s28] =	ssyncset.done $0x0  }
0x2b: {  	[sflag:s28] =	ssyncadd.s32 $0xFFFFFF88  }
0x2c: {  	_ =	swait.ge [sflag:s28], $0x78  }
0x2d: {  	[sflag:s28] =	ssyncset.done $0x0  }
0x2e: {  	[sflag:s28] =	ssyncadd.s32 $0xFFFFFF88  }
0x2f: {  	[tilespmem:s30], [sflag:$0x3] =	stream.indirect.gather [hbm4b:s6+s29], $0x80, s3, s29, $0xb8;
	[tilespmem:$0x1BA00] =	vst v63  }
0x30: {  	_ =	swait.ge [sflag:s31], $0x78  }
0x31: {  	[sflag:s31] =	ssyncset.done $0x0  }
0x32: {  	[sflag:s31] =	ssyncadd.s32 $0xFFFFFF88  }
0x33: {  	_ =	swait.ge [sflag:s31], $0x78  }
0x34: {  	[sflag:s31] =	ssyncset.done $0x0  }
0x35: {  	[sflag:s31] =	ssyncadd.s32 $0xFFFFFF88  }
0x36: {  	[tilespmem:s0], [sflag:$0x4] =	stream.indirect.gather [hbm4b:s6+s29], $0x80, s24, s29, $0xb8;
	[tilespmem:$0x1BA00] =	vst v63  }
0x37: {  	_ =	swait.ge [sflag:s2], $0x3C00  }
0x38: {  	[sflag:s2] =	ssyncset.done $0x0  }
0x39: {  	[sflag:s2] =	ssyncadd.s32 $0xFFFFC400  }
0x3a: {  	[spmem:s1] =	stream.indirect.scatter.add.f32 [tilespmem:s30], [sflag:$0x5], $0x80, s23, s29, $0xb8;
	[tilespmem:$0x1BA00] =	vst v63  }
0x3b: {  	_ =	swait.ge [sflag:s26], $0x3C00  }
0x3c: {  	s12 =	sshrl.u32 s22, $0x3;
	[sflag:s26] =	ssyncset.done $0x0  }
0x3d: {  	s11 =	sadd.s32 s4, s12;
	[sflag:s26] =	ssyncadd.s32 $0xFFFFC400  }
0x3e: {  	[tilespmem:s3], [sflag:$0x1] =	stream.linear.gather [hbm4b:s11+s3], $0x78, $0x38;
	[tilespmem:$0x1BA00] =	vst v63  }
0x3f: {  	s10 =	sadd.s32 s5, s12  }
0x40: {  	[tilespmem:s23], [sflag:$0x1] =	stream.linear.gather [hbm4b:s10+s3], $0x78, $0x38;
	[tilespmem:$0x1BA00] =	vst v63  }
0x41: {  	_ =	swait.ge [sflag:s7], $0x3C00  }
0x42: {  	[sflag:s7] =	ssyncset.done $0x0  }
0x43: {  	[sflag:s7] =	ssyncadd.s32 $0xFFFFC400  }
0x44: {  	[spmem:s1] =	stream.indirect.scatter.add.f32 [tilespmem:s0], [sflag:$0x5], $0x80, s25, s29, $0xb8;
	[tilespmem:$0x1BA00] =	vst v63  }
0x45: {  	_ =	swait.ge [sflag:s26], $0x3C00  }
0x46: {  	[sflag:s26] =	ssyncset.done $0x0  }
0x47: {  	s14 =	sadd.s32 $0x0, s21;
	[sflag:s26] =	ssyncadd.s32 $0xFFFFC400  }
0x48: {  	[tilespmem:s24], [sflag:$0x2] =	stream.linear.gather [hbm4b:s14+s3], $0x78, $0x38;
	[tilespmem:$0x1BA00] =	vst v63  }
0x49: {  	s15 =	sadd.s32 $0x0, s20  }
0x4a: {  	[tilespmem:s25], [sflag:$0x2] =	stream.linear.gather [hbm4b:s15+s3], $0x78, $0x38;
	[tilespmem:$0x1BA00] =	vst v63  }
0x4b: {  	_ =	swait.ge [sflag:s28], $0x78  }
0x4c: {  	[sflag:s28] =	ssyncset.done $0x0  }
0x4d: {  	[sflag:s28] =	ssyncadd.s32 $0xFFFFFF88  }
0x4e: {  	_ =	swait.ge [sflag:s28], $0x78  }
0x4f: {  	[sflag:s28] =	ssyncset.done $0x0  }
0x50: {  	s11 =	sadd.s32 $0xF0, s22;
	s10 =	simm.s32 $0x1E;
	[sflag:s28] =	ssyncadd.s32 $0xFFFFFF88  }
.LBB2_2:
0x51: {  	[tilespmem:s30], [sflag:$0x3] =	stream.indirect.gather [hbm4b:s6+s29], $0x80, s3, s29, $0xb8;
	[tilespmem:$0x1BA00] =	vst v63  }
0x52: {  	s12 =	smov.u32 s10  }
0x53: {  	p0 =	sne.s32 s10, $0x4B0;
	s10 =	sadd.s32 $0x1E, s10;
	_ =	swait.ge [sflag:s31], $0x78  }
0x54: {  	[sflag:s31] =	ssyncset.done $0x0  }
0x55: {  	[sflag:s31] =	ssyncadd.s32 $0xFFFFFF88  }
0x56: {  	_ =	swait.ge [sflag:s31], $0x78  }
0x57: {  	[sflag:s31] =	ssyncset.done $0x0  }
0x58: {  	[sflag:s31] =	ssyncadd.s32 $0xFFFFFF88  }
0x59: {  	[tilespmem:s0], [sflag:$0x4] =	stream.indirect.gather [hbm4b:s6+s29], $0x80, s24, s29, $0xb8;
	[tilespmem:$0x1BA00] =	vst v63  }
0x5a: {  	_ =	swait.ge [sflag:s2], $0x3C00  }
0x5b: {  	[sflag:s2] =	ssyncset.done $0x0  }
0x5c: {  	[sflag:s2] =	ssyncadd.s32 $0xFFFFC400  }
0x5d: {  	[spmem:s1] =	stream.indirect.scatter.add.f32 [tilespmem:s30], [sflag:$0x5], $0x80, s23, s29, $0xb8;
	[tilespmem:$0x1BA00] =	vst v63  }
0x5e: {  	_ =	swait.ge [sflag:s26], $0x3C00  }
0x5f: {  	s14 =	sshrl.u32 s11, $0x3;
	[sflag:s26] =	ssyncset.done $0x0  }
0x60: {  	s15 =	sadd.s32 s4, s14;
	[sflag:s26] =	ssyncadd.s32 $0xFFFFC400  }
0x61: {  	[tilespmem:s3], [sflag:$0x1] =	stream.linear.gather [hbm4b:s15+s3], $0x78, $0x38;
	[tilespmem:$0x1BA00] =	vst v63  }
0x62: {  	s14 =	sadd.s32 s5, s14  }
0x63: {  	[tilespmem:s23], [sflag:$0x1] =	stream.linear.gather [hbm4b:s14+s3], $0x78, $0x38;
	[tilespmem:$0x1BA00] =	vst v63  }
0x64: {  	_ =	swait.ge [sflag:s7], $0x3C00  }
0x65: {  	[sflag:s7] =	ssyncset.done $0x0  }
0x66: {  	[sflag:s7] =	ssyncadd.s32 $0xFFFFC400  }
0x67: {  	[spmem:s1] =	stream.indirect.scatter.add.f32 [tilespmem:s0], [sflag:$0x5], $0x80, s25, s29, $0xb8;
	[tilespmem:$0x1BA00] =	vst v63  }
0x68: {  	_ =	swait.ge [sflag:s26], $0x3C00  }
0x69: {  	[sflag:s26] =	ssyncset.done $0x0  }
0x6a: {  	s14 =	sadd.s32 s12, s21;
	[sflag:s26] =	ssyncadd.s32 $0xFFFFC400  }
0x6b: {  	[tilespmem:s24], [sflag:$0x2] =	stream.linear.gather [hbm4b:s14+s3], $0x78, $0x38;
	[tilespmem:$0x1BA00] =	vst v63  }
0x6c: {  	s12 =	sadd.s32 s12, s20  }
0x6d: {  	[tilespmem:s25], [sflag:$0x2] =	stream.linear.gather [hbm4b:s12+s3], $0x78, $0x38;
	[tilespmem:$0x1BA00] =	vst v63  }
0x6e: {  	_ =	swait.ge [sflag:s28], $0x78  }
.Ltmp0:
0x6f: {  	[sflag:s28] =	ssyncset.done $0x0;
	(pc) =	sbr.rel @p0 .LBB2_2-.Ltmp0, $4  }
0x70: {  	[sflag:s28] =	ssyncadd.s32 $0xFFFFFF88  }
0x71: {  	_ =	swait.ge [sflag:s28], $0x78  }
0x72: {  	[sflag:s28] =	ssyncset.done $0x0  }
0x73: {  	s11 =	sadd.s32 $0xF0, s11;
	[sflag:s28] =	ssyncadd.s32 $0xFFFFFF88  }
0x74: {  	[tilespmem:s30], [sflag:$0x3] =	stream.indirect.gather [hbm4b:s6+s29], $0x80, s3, s29, $0xb8;
	[tilespmem:$0x1BA00] =	vst v63  }
0x75: {  	_ =	swait.ge [sflag:s31], $0x78  }
0x76: {  	[sflag:s31] =	ssyncset.done $0x0  }
0x77: {  	[sflag:s31] =	ssyncadd.s32 $0xFFFFFF88  }
0x78: {  	_ =	swait.ge [sflag:s31], $0x78  }
0x79: {  	[sflag:s31] =	ssyncset.done $0x0  }
0x7a: {  	[sflag:s31] =	ssyncadd.s32 $0xFFFFFF88  }
0x7b: {  	[tilespmem:s0], [sflag:$0x4] =	stream.indirect.gather [hbm4b:s6+s29], $0x80, s24, s29, $0xb8;
	[tilespmem:$0x1BA00] =	vst v63  }
0x7c: {  	_ =	swait.ge [sflag:s2], $0x3C00  }
0x7d: {  	[sflag:s2] =	ssyncset.done $0x0  }
0x7e: {  	[sflag:s2] =	ssyncadd.s32 $0xFFFFC400  }
0x7f: {  	[spmem:s1] =	stream.indirect.scatter.add.f32 [tilespmem:s30], [sflag:$0x5], $0x80, s23, s29, $0xb8;
	[tilespmem:$0x1BA00] =	vst v63  }
0x80: {  	_ =	swait.ge [sflag:s26], $0x3C00  }
0x81: {  	[sflag:s26] =	ssyncset.done $0x0  }
0x82: {  	[sflag:s26] =	ssyncadd.s32 $0xFFFFC400  }
0x83: {  	[tilespmem:s3], [sflag:$0x1] =	stream.linear.gather [hbm4b:s18+s3], $0x78, $0x38;
	[tilespmem:$0x1BA00] =	vst v63  }
0x84: {  	_ = 	snop  }
0x85: {  	[tilespmem:s23], [sflag:$0x1] =	stream.linear.gather [hbm4b:s19+s3], $0x78, $0x38;
	[tilespmem:$0x1BA00] =	vst v63  }
0x86: {  	_ =	swait.ge [sflag:s7], $0x3C00  }
0x87: {  	[sflag:s7] =	ssyncset.done $0x0  }
0x88: {  	[sflag:s7] =	ssyncadd.s32 $0xFFFFC400  }
0x89: {  	[spmem:s1] =	stream.indirect.scatter.add.f32 [tilespmem:s0], [sflag:$0x5], $0x80, s25, s29, $0xb8;
	[tilespmem:$0x1BA00] =	vst v63  }
0x8a: {  	_ =	swait.ge [sflag:s26], $0x3C00  }
0x8b: {  	[sflag:s26] =	ssyncset.done $0x0  }
0x8c: {  	[sflag:s26] =	ssyncadd.s32 $0xFFFFC400  }
0x8d: {  	[tilespmem:s24], [sflag:$0x2] =	stream.linear.gather [hbm4b:s16+s3], $0x78, $0x38;
	[tilespmem:$0x1BA00] =	vst v63  }
0x8e: {  	_ = 	snop  }
0x8f: {  	[tilespmem:s25], [sflag:$0x2] =	stream.linear.gather [hbm4b:s17+s3], $0x78, $0x38;
	[tilespmem:$0x1BA00] =	vst v63  }
0x90: {  	_ =	swait.ge [sflag:s28], $0x78  }
0x91: {  	[sflag:s28] =	ssyncset.done $0x0  }
0x92: {  	[sflag:s28] =	ssyncadd.s32 $0xFFFFFF88  }
0x93: {  	_ =	swait.ge [sflag:s28], $0x78  }
0x94: {  	[sflag:s28] =	ssyncset.done $0x0  }
0x95: {  	[sflag:s28] =	ssyncadd.s32 $0xFFFFFF88  }
0x96: {  	[tilespmem:s30], [sflag:$0x3] =	stream.indirect.gather [hbm4b:s6+s29], $0x80, s3, s29, $0xb8;
	[tilespmem:$0x1BA00] =	vst v63  }
0x97: {  	_ =	swait.ge [sflag:s31], $0x78  }
0x98: {  	[sflag:s31] =	ssyncset.done $0x0  }
0x99: {  	[sflag:s31] =	ssyncadd.s32 $0xFFFFFF88  }
0x9a: {  	_ =	swait.ge [sflag:s31], $0x78  }
0x9b: {  	[sflag:s31] =	ssyncset.done $0x0  }
0x9c: {  	[sflag:s31] =	ssyncadd.s32 $0xFFFFFF88  }
0x9d: {  	[tilespmem:s0], [sflag:$0x4] =	stream.indirect.gather [hbm4b:s6+s29], $0x80, s24, s29, $0xb8;
	[tilespmem:$0x1BA00] =	vst v63  }
0x9e: {  	_ =	swait.ge [sflag:s2], $0x3C00  }
0x9f: {  	[sflag:s2] =	ssyncset.done $0x0  }
0xa0: {  	[sflag:s2] =	ssyncadd.s32 $0xFFFFC400  }
0xa1: {  	[spmem:s1] =	stream.indirect.scatter.add.f32 [tilespmem:s30], [sflag:$0x5], $0x80, s23, s29, $0xb8;
	[tilespmem:$0x1BA00] =	vst v63  }
0xa2: {  	_ =	swait.ge [sflag:s26], $0x3C00  }
0xa3: {  	[sflag:s26] =	ssyncset.done $0x0  }
0xa4: {  	[sflag:s26] =	ssyncadd.s32 $0xFFFFC400  }
0xa5: {  	[tilespmem:s3], [sflag:$0x1] =	stream.linear.gather [hbm4b:s16+s3], $0x78, $0x38;
	[tilespmem:$0x1BA00] =	vst v63  }
0xa6: {  	_ = 	snop  }
0xa7: {  	[tilespmem:s23], [sflag:$0x1] =	stream.linear.gather [hbm4b:s17+s3], $0x78, $0x38;
	[tilespmem:$0x1BA00] =	vst v63  }
0xa8: {  	_ =	swait.ge [sflag:s7], $0x3C00  }
0xa9: {  	[sflag:s7] =	ssyncset.done $0x0  }
0xaa: {  	[sflag:s7] =	ssyncadd.s32 $0xFFFFC400  }
0xab: {  	[spmem:s1] =	stream.indirect.scatter.add.f32 [tilespmem:s0], [sflag:$0x5], $0x80, s25, s29, $0xb8;
	[tilespmem:$0x1BA00] =	vst v63  }
0xac: {  	_ =	swait.ge [sflag:s26], $0x3C00  }
0xad: {  	[sflag:s26] =	ssyncset.done $0x0  }
0xae: {  	[sflag:s26] =	ssyncadd.s32 $0xFFFFC400  }
0xaf: {  	[tilespmem:s24], [sflag:$0x2] =	stream.linear.gather [hbm4b:s16+s3], $0x78, $0x38;
	[tilespmem:$0x1BA00] =	vst v63  }
0xb0: {  	_ = 	snop  }
0xb1: {  	[tilespmem:s25], [sflag:$0x2] =	stream.linear.gather [hbm4b:s17+s3], $0x78, $0x38;
	[tilespmem:$0x1BA00] =	vst v63  }
0xb2: {  	_ =	swait.ge [sflag:s28], $0x78  }
0xb3: {  	[sflag:s28] =	ssyncset.done $0x0  }
0xb4: {  	[sflag:s28] =	ssyncadd.s32 $0xFFFFFF88  }
0xb5: {  	_ =	swait.ge [sflag:s28], $0x78  }
0xb6: {  	[sflag:s28] =	ssyncset.done $0x0  }
0xb7: {  	[sflag:s28] =	ssyncadd.s32 $0xFFFFFF88  }
0xb8: {  	[tilespmem:s30], [sflag:$0x3] =	stream.indirect.gather [hbm4b:s6+s29], $0x80, s3, s29, $0xb8;
	[tilespmem:$0x1BA00] =	vst v63  }
0xb9: {  	_ =	swait.ge [sflag:s2], $0x3C00  }
0xba: {  	[sflag:s2] =	ssyncset.done $0x0  }
0xbb: {  	[sflag:s2] =	ssyncadd.s32 $0xFFFFC400  }
0xbc: {  	_ =	swait.ge [sflag:s31], $0x78  }
0xbd: {  	[sflag:s31] =	ssyncset.done $0x0  }
0xbe: {  	[sflag:s31] =	ssyncadd.s32 $0xFFFFFF88  }
0xbf: {  	_ =	swait.ge [sflag:s31], $0x78  }
0xc0: {  	[sflag:s31] =	ssyncset.done $0x0  }
0xc1: {  	[sflag:s31] =	ssyncadd.s32 $0xFFFFFF88  }
0xc2: {  	[bflag:$0x0] =	sbarrier.arrive $0xFFFF  }
0xc3: {  	s10 =	rddreg [dreg:$0x9]  }
0xc4: {  	[hbm:s10], [sflag:s13] =	dma.local [spmem:s9], $0x2800  }
0xc5: {  	_ =	swait.ge [sflag:s26], $0x2800  }
0xc6: {  	s8 =	sadd.s32 $0x1, s8;
	s15 =	rddreg [dreg:$0xa]  }
0xc7: {  	p0 =	sne.s32 s8, s15  }
.Ltmp1:
0xc8: {  	_ = 	snop;
	(pc) =	sbr.rel @p0 .LBB2_1-.Ltmp1, $3  }
0xc9: {  	_ =	sdelay $0x1  }
0xca: {  	[sflag:s26] =	ssyncset.done $0x0  }
0xcb: {  	[sflag:s26] =	ssyncadd.s32 $0xFFFFD800  }
0xcc: {  	_ =	sfence.sel $0x180000  }
0xcd: {  	[bflag:$0x0] =	sbarrier.arrive $0xFFFF  }
0xce: {  	_ =	strace $0x9000004A  }
0xcf: {  	s0 =	stileid.u32;
	[bflag:$0x2] =	sbarrier.arrive $0xFFFF  }
0xd0: {  	p0 =	sne.s32 s0, $0x0;
	s0 =	rddreg [dreg:$0x2]  }
0xd1: {  	s0 =	sadd.s32 @!p0 $0x100000, s0  }
0xd2: {  	[sflag:s0] =	ssyncadd.tile.s32 @!p0 $0x1;
	_ =	shalt  }
.Lfunc_end2:
_tile_overlayer_lowered:
.L_overlay_start_2:
0xd3: {  	(tag) =	ssettag $0x2  }
0xd4: {  	s0 =	rddreg [dreg:$0x0];
	s2 =	stileid.u32  }
0xd5: {  	s1 =	rddreg [dreg:$0x1];
	p0 =	sne.s32 s2, $0x0  }
0xd6: {  	s3 =	rddreg [dreg:$0x2];
	[bflag:$0x3] =	sbarrier.arrive $0xFFFF;
	s2 =	simm.s32 @!p0 $0x1C05  }
0xd7: {  	[timem:s3], [sflag:s2] =	dma.local @!p0 [hbm:s0], s1  }
0xd8: {  	s0 =	simm.s32 @!p0 $0x5  }
0xd9: {  	_ =	swait.ge @!p0 [sflag:s0], s1  }
0xda: {  	s1 =	ssub.s32 @!p0 $0x0, s1;
	[sflag:s0] =	ssyncset.done @!p0 $0x0  }
0xdb: {  	[sflag:s0] =	ssyncadd.s32 @!p0 s1  }
0xdc: {  	[bflag:$0x3] =	sbarrier.arrive $0xFFFF  }
0xdd: {  	_ =	shalt  }

// kernel: kernel.16.cloned.1.call-start
scs
__scs_entry_jumppad:
0x0: {  	(pc) =	sbr.rel $0x88, $3  }
0x1: {  	(tag) =	ssettag $0x0;
	lr =	simm.s32 $0x1  }
0x2: {  	[smem:$0x3F80] =	sst lr;
	_ =	strace $0xD0000000  }
0x3: {  	_ = 	snop  }
0x4: {  	_ = 	snop  }
0x5: {  	_ = 	snop  }
0x6: {  	_ = 	snop  }
0x7: {  	_ = 	snop  }
__scs_overlays_trampoline_lowered:
0x8: {  	[smem:$0x3F8F] =	sst s0  }
0x9: {  	[smem:$0x3F90] =	sst s1  }
0xa: {  	[smem:$0x3F91] =	sst s2  }
0xb: {  	[smem:$0x3F92] =	sst s3  }
0xc: {  	[smem:$0x3F93] =	sst s4  }
0xd: {  	[smem:$0x3F94] =	sst s5  }
0xe: {  	[smem:$0x3F95] =	sst s6  }
0xf: {  	[smem:$0x3F96] =	sst s7  }
0x10: {  	[smem:$0x3F97] =	sst s8  }
0x11: {  	[smem:$0x3F98] =	sst s9;
	s0 =	simm.s32 @!p0 $0x0  }
0x12: {  	s1 =	sld [smem:$0x3F7E];
	s0 =	simm.s32 @p0 $0x1  }
0x13: {  	[smem:$0x3F99] =	sst s0;
	s0 =	simm.s32 @!p1 $0x0  }
0x14: {  	s2 =	sld [smem:$0x3F7D];
	s0 =	simm.s32 @p1 $0x1  }
0x15: {  	[smem:$0x3F9A] =	sst s0;
	s0 =	simm.s32 @!p2 $0x0  }
0x16: {  	s3 =	sld [smem:$0x3FDB];
	s0 =	simm.s32 @p2 $0x1  }
0x17: {  	s4 =	simm.s32 $0x1BF5;
	[smem:$0x3F9C] =	sst s0  }
0x18: {  	s0 =	sld [smem:$0x3F7F];
	_ =	swait.ge [sflag:s4], $0x0  }
0x19: {  	s7 =	sld [smem:$0x3F80]  }
0x1a: {  	s8 =	sadd.s32 $0xFFFFE003, lr  }
0x1b: {  	s9 =	sadd.s32 $0xFFFFFEF7, lr;
	s5 =	simm.s32 $0xFFFFFFFF;
	p2 =	slt.u32 s8, $0xFFFFF086  }
0x1c: {  	p1 =	slt.u32 s9, $0xF7A;
	s5 =	simm.s32 @!p2 $0x0  }
0x1d: {  	s5 =	simm.s32 @p1 $0x1;
	p0 =	seq.s32 s7, s2  }
0x1e: {  	s7 =	smul.u32 @!p0 $0xF7A, s2;
	p2 =	seq.s32 @!p0 s5, $0x0  }
0x1f: {  	s9 =	smul.u32 $0xF7A, s1;
	s8 =	simm.s32 @!p0 $0x1BF5;
	p2 =	por !p2, p0  }
0x20: {  	[sflag:s8] =	ssyncset.s32 @!p0 $0xFFFFF086;
	s6 =	sadd.s32 @!p0 s3, s7;
	s7 =	simm.s32 @!p0 $0x108  }
0x21: {  	s3 =	sadd.s32 s3, s9;
	s6 =	sadd.s32 @!p0 $0x88, s6;
	s7 =	simm.s32 @p2 $0x1082  }
0x22: {  	[simem:s7], [sflag:s8] =	dma.local @!p0 [hbm:s6], $0xF7A  }
0x23: {  	s9 =	sor.u32 $0xD0000000, s2;
	s6 =	simm.s32 $0x108;
	_ =	swait.ge @!p0 [sflag:s8], $0x0  }
0x24: {  	s3 =	sadd.s32 $0x88, s3;
	s6 =	simm.s32 @!p1 $0x1082;
	[sflag:s4] =	ssyncset.s32 $0xFFFFF086  }
0x25: {  	[simem:s6], [sflag:s4] =	dma.local [hbm:s3], $0xF7A  }
0x26: {  	[smem:$0x3F80] =	sst s1;
	(tag) =	ssettag s2;
	_ =	strace s9  }
0x27: {  	s1 =	sld [smem:$0x3F90]  }
0x28: {  	s2 =	sld [smem:$0x3F91]  }
0x29: {  	s4 =	sld [smem:$0x3F93]  }
0x2a: {  	p0 =	seq.s32 s5, $0x0;
	s5 =	sld [smem:$0x3F94]  }
0x2b: {  	s6 =	sld [smem:$0x3F95]  }
0x2c: {  	s7 =	sld [smem:$0x3F96]  }
0x2d: {  	s3 =	simm.s32 $0x108;
	s8 =	sld [smem:$0x3F97]  }
0x2e: {  	s3 =	simm.s32 @!p0 $0x1082;
	s9 =	sld [smem:$0x3F98]  }
0x2f: {  	lr =	sadd.s32 s0, s3;
	s0 =	sld [smem:$0x3F8F]  }
0x30: {  	s3 =	sld [smem:$0x3F92]  }
0x31: {  	[smem:$0x3F9B] =	sst s10  }
0x32: {  	s10 =	sld [smem:$0x3F99];
	_ =	sdelay $0x3  }
0x33: {  	p0 =	seq.s32 s10, $0x1;
	s10 =	sld [smem:$0x3F9B];
	_ =	sdelay $0x3  }
0x34: {  	[smem:$0x3F9B] =	sst s10  }
0x35: {  	s10 =	sld [smem:$0x3F9A];
	_ =	sdelay $0x3  }
0x36: {  	p1 =	seq.s32 s10, $0x1;
	s10 =	sld [smem:$0x3F9B];
	_ =	sdelay $0x3  }
0x37: {  	[smem:$0x3F9B] =	sst s10  }
0x38: {  	s10 =	sld [smem:$0x3F9C]  }
0x39: {  	_ = 	snop;
	(pc) =	sbr.ind lr, $3  }
0x3a: {  	_ = 	snop  }
0x3b: {  	_ = 	snop  }
0x3c: {  	p2 =	seq.s32 s10, $0x1;
	s10 =	sld [smem:$0x3F9B]  }
0x3d: {  	_ =	shalt  }
0x3e: {  	_ =	shalt  }
0x3f: {  	_ =	shalt  }
0x40: {  	_ =	shalt  }
0x41: {  	_ =	shalt  }
0x42: {  	_ =	shalt  }
0x43: {  	_ =	shalt  }
0x44: {  	_ =	shalt  }
0x45: {  	_ =	shalt  }
0x46: {  	_ =	shalt  }
0x47: {  	_ =	shalt  }
0x48: {  	_ =	shalt  }
0x49: {  	_ =	shalt  }
0x4a: {  	_ =	shalt  }
0x4b: {  	_ =	shalt  }
0x4c: {  	_ =	shalt  }
0x4d: {  	_ =	shalt  }
0x4e: {  	_ =	shalt  }
0x4f: {  	_ =	shalt  }
0x50: {  	_ =	shalt  }
0x51: {  	_ =	shalt  }
0x52: {  	_ =	shalt  }
0x53: {  	_ =	shalt  }
0x54: {  	_ =	shalt  }
0x55: {  	_ =	shalt  }
0x56: {  	_ =	shalt  }
0x57: {  	_ =	shalt  }
0x58: {  	_ =	shalt  }
0x59: {  	_ =	shalt  }
0x5a: {  	_ =	shalt  }
0x5b: {  	_ =	shalt  }
0x5c: {  	_ =	shalt  }
0x5d: {  	_ =	shalt  }
0x5e: {  	_ =	shalt  }
0x5f: {  	_ =	shalt  }
0x60: {  	_ =	shalt  }
0x61: {  	_ =	shalt  }
0x62: {  	_ =	shalt  }
0x63: {  	_ =	shalt  }
0x64: {  	_ =	shalt  }
0x65: {  	_ =	shalt  }
0x66: {  	_ =	shalt  }
0x67: {  	_ =	shalt  }
0x68: {  	_ =	shalt  }
0x69: {  	_ =	shalt  }
0x6a: {  	_ =	shalt  }
0x6b: {  	_ =	shalt  }
0x6c: {  	_ =	shalt  }
0x6d: {  	_ =	shalt  }
0x6e: {  	_ =	shalt  }
0x6f: {  	_ =	shalt  }
0x70: {  	_ =	shalt  }
0x71: {  	_ =	shalt  }
0x72: {  	_ =	shalt  }
0x73: {  	_ =	shalt  }
0x74: {  	_ =	shalt  }
0x75: {  	_ =	shalt  }
0x76: {  	_ =	shalt  }
0x77: {  	_ =	shalt  }
0x78: {  	_ =	shalt  }
0x79: {  	_ =	shalt  }
0x7a: {  	_ =	shalt  }
0x7b: {  	_ =	shalt  }
0x7c: {  	_ =	shalt  }
0x7d: {  	_ =	shalt  }
0x7e: {  	_ =	shalt  }
0x7f: {  	_ =	shalt  }
0x80: {  	_ =	shalt  }
0x81: {  	_ =	shalt  }
0x82: {  	_ =	shalt  }
0x83: {  	_ =	shalt  }
0x84: {  	_ =	shalt  }
0x85: {  	_ =	shalt  }
0x86: {  	_ =	shalt  }
0x87: {  	_ =	shalt  }
.Lfunc_end0:
.L_simem_size_0:
called_computation.2_lowered:
.L_overlay_start_0:
0x88: {  	s2 =	sld [smem:$0x3FD9]  }
0x89: {  	s3 =	sld [smem:$0x3FFE];
	_ =	sdelay $0x1  }
0x8a: {  	s1 =	srdreg.scid  }
0x8b: {  	s0 =	sand.u32 $0x1, s1  }
0x8c: {  	s16 =	sshll.u32 s0, $0xA;
	s2 =	sadd.s32 s3, s2  }
0x8d: {  	s2 =	sadd.s32 s2, s16  }
0x8e: {  	[smem:$0x3FA7] =	sst s2  }
0x8f: {  	_ = 	snop  }
0x90: {  	(tm) =	ssettm $0x1  }
0x91: {  	s17 =	sld [smem:$0x3FFB];
	_ =	sdelay $0x3  }
0x92: {  	_ =	strace s17  }
0x93: {  	s2 =	sld [smem:$0x3FFC];
	_ =	sdelay $0x3  }
0x94: {  	_ =	strace s2  }
0x95: {  	s2 =	sld [smem:$0x3FFD];
	_ =	sdelay $0x3  }
0x96: {  	_ =	strace s2  }
0x97: {  	_ =	strace $0x8FFFFFFF  }
0x98: {  	s18 =	sld [smem:$0x3FDB];
	_ =	sdelay $0x1  }
0x99: {  	s19 =	simm.s32 $_scs_section_size  }
0x9a: {  	s4 =	simm.s32 $_size__tile_overlayer_lowered;
	s5 =	simm.s32 $_tile_overlayer_lowered  }
0x9b: {  	s22 =	simm.s32 $0x1BFF;
	s21 =	sshll.u32 s5, $0x1;
	s2 =	sadd.s32 s19, s18  }
0x9c: {  	s6 =	simm.s32 $0x0;
	s20 =	sshll.u32 s4, $0x1;
	s4 =	sadd.s32 s21, s2  }
0x9d: {  	[timem:s6], [sflag:s22] =	dma.local [hbm:s4], s20  }
0x9e: {  	_ =	swait.ge [sflag:s22], s20  }
0x9f: {  	s3 =	ssub.s32 $0x0, s20;
	[sflag:s22] =	ssyncset.done $0x0  }
0xa0: {  	[sflag:s22] =	ssyncadd.s32 s3;
	_ =	sdelay $0x1  }
0xa1: {  	s23 =	simm.s32 $0x1B8B  }
0xa2: {  	_ =	swait.ge [sflag:s23], $0x1  }
0xa3: {  	[sflag:s23] =	ssyncset.done $0x0  }
0xa4: {  	s25 =	simm.s32 $0x1B8E;
	s24 =	sld [smem:$0x3FFE];
	[sflag:s23] =	ssyncadd.s32 $0xFFFFFFFF  }
0xa5: {  	s26 =	simm.s32 $execute0_lowered;
	[smem:$0x3FD2] =	sst s25  }
0xa6: {  	s4 =	sshll.u32 s26, $0x1;
	_ =	strace $0x8000004C;
	[dreg:$0x1] =	wrdreg $0xFFFFFFFF  }
0xa7: {  	s28 =	simm.s32 $_size_execute0_lowered;
	s2 =	sadd.s32 s2, s4;
	[dreg:$0x0] =	wrdreg $0x0  }
0xa8: {  	s4 =	sshll.u32 s28, $0x1;
	[dreg:$0x2] =	wrdreg s2  }
0xa9: {  	[dreg:$0x3] =	wrdreg s4  }
0xaa: {  	[dreg:$0x4] =	wrdreg $0xC0  }
0xab: {  	_ =	task [dreg:s6], $0x5FFFF  }
0xac: {  	[dreg:$0x1] =	wrdreg $0xFFFFFFFF  }
0xad: {  	[dreg:$0x0] =	wrdreg $0x60  }
0xae: {  	[dreg:$0x2] =	wrdreg s24  }
0xaf: {  	[dreg:$0x3] =	wrdreg $0x7A000  }
0xb0: {  	[dreg:$0x4] =	wrdreg $0x9  }
0xb1: {  	_ =	task.clear_ibuf [dreg:s6], $0x5FFFF;
	_ =	strace $0x9000004C  }
0xb2: {  	s29 =	simm.s32 $0x9;
	_ =	strace $0x8000004E  }
0xb3: {  	_ =	swait.ge [sflag:s29], $0x1  }
0xb4: {  	[sflag:s29] =	ssyncadd.s32 $0xFFFFFFFF  }
0xb5: {  	_ =	strace $0x9000004E  }
0xb6: {  	_ =	sfence  }
0xb7: {  	s30 =	sld [smem:$0x0];
	_ =	sdelay $0x2  }
0xb8: {  	s31 =	sshll.u32 s1, $0xD;
	s1 =	sshrl.u32 s1, $0x2  }
0xb9: {  	s3 =	sand.u32 $0x4000, s31;
	s1 =	sadd.s32 s1, s30  }
0xba: {  	s0 =	sor.u32 s3, s0;
	s1 =	sshll.u32 s1, $0x11  }
0xbb: {  	s0 =	sor.u32 s1, s0  }
0xbc: {  	s0 =	sadd.s32 $0x8F2B, s0  }
0xbd: {  	[sflag:s0] =	ssyncadd.remote.s32 $0x1  }
0xbe: {  	_ =	sfence.sel $0xFFFF  }
0xbf: {  	[dreg:$0x0] =	wrdreg $0xFFFFFFFF;
	(pc) =	sbr.abs _section_cstart, $3  }
0xc0: {  	[dreg:$0x1] =	wrdreg $0xFFFFFFFF  }
0xc1: {  	_ =	task.clear_ibuf [dreg:s6], $0x2FFFF;
	_ =	strace $0x9FFFFFFF  }
0xc2: {  	(tm) =	ssettm $0x7FFFFFFF  }
0xc3: {  	_ =	shalt  }
tec
execute0_lowered:
.L_overlay_start_1:
0x0: {  	(tag) =	ssettag $0x1  }
0x1: {  	s0 =	rddreg [dreg:$0x0]  }
0x2: {  	s1 =	rddreg [dreg:$0x1];
	s3 =	simm.s32 $0x0  }
0x3: {  	s2 =	srdreg.scid;
	s13 =	stileid.u32;
	s28 =	simm.s32 $0x1  }
0x4: {  	s29 =	simm.s32 $0x78;
	s30 =	simm.s32 $0x200;
	s31 =	simm.s32 $0x2  }
0x5: {  	[smem:$0x7FF] =	sst s3;
	s2 =	sand.u32 $0x1, s2;
	s8 =	smul.u32 $0x14000, s13  }
0x6: {  	s4 =	sadd.s32 $0x37A00, s0;
	s5 =	sadd.s32 $0x2D800, s0;
	s12 =	smul.u32 $0x50000, s13  }
0x7: {  	s9 =	sshll.u32 s13, $0x1;
	s6 =	sadd.s32 $0x5800, s0;
	s21 =	smul.u32 $0x50A0, s13  }
0x8: {  	s10 =	sadd.s32 $0x41C00, s0;
	s22 =	sshll.u32 s13, $0x6;
	s7 =	smul.u32 $0x140000, s2  }
0x9: {  	_ =	strace $0x8000004D;
	s25 =	sor.u32 s2, s9;
	s26 =	ssub.s32 $0x2, s2  }
0xa: {  	[dreg:$0x3] =	wrdreg s10;
	s2 =	smul.u32 $0x2850, s2;
	s13 =	sor.u32 $0x1C05, s22  }
0xb: {  	s10 =	sshrl.u32 s26, $0x1;
	s19 =	sshrl.u32 s12, $0x2;
	s7 =	sadd.s32 s8, s7  }
0xc: {  	s8 =	smul.u32 $0x2850, s25;
	s20 =	sadd.s32 s19, s1;
	s2 =	sadd.s32 s2, s21  }
0xd: {  	s7 =	sshrl.u32 s7, $0x3;
	[dreg:$0x8] =	wrdreg s20;
	s25 =	sadd.s32 $0x168, s2  }
0xe: {  	s22 =	sadd.s32 $0xF0, s2;
	s2 =	simm.s32 $0x3;
	s0 =	sadd.s32 s7, s0  }
0xf: {  	s14 =	sshrl.u32 s8, $0x3;
	s11 =	sadd.s32 $0x78, s8;
	s7 =	ssub.s32 s26, s10  }
0x10: {  	s8 =	sadd.s32 $0x27D8, s8;
	s26 =	sshrl.u32 s25, $0x3;
	s25 =	simm.s32 $0x180  }
0x11: {  	s15 =	sadd.s32 s4, s14;
	s16 =	sshrl.u32 s11, $0x3;
	s17 =	sadd.s32 s5, s14  }
0x12: {  	s0 =	sadd.s32 $0x44400, s0;
	s23 =	sshrl.u32 s8, $0x3;
	s7 =	smax.u32 s7, $0x1  }
0x13: {  	s24 =	sadd.s32 $0x4EC, s14;
	s20 =	sadd.s32 s26, s5;
	[dreg:$0x4] =	wrdreg s15  }
0x14: {  	s21 =	sadd.s32 s26, s4;
	s26 =	simm.s32 $0x5;
	[dreg:$0x5] =	wrdreg s17  }
0x15: {  	s8 =	simm.s32 $0x0;
	s18 =	sadd.s32 s4, s16;
	[dreg:$0x9] =	wrdreg s0  }
0x16: {  	s9 =	sadd.s32 s5, s16;
	[dreg:$0xa] =	wrdreg s7;
	s16 =	sadd.s32 s4, s23  }
0x17: {  	s17 =	sadd.s32 s5, s23;
	s19 =	sadd.s32 s5, s24;
	s23 =	simm.s32 $0x80  }
0x18: {  	s0 =	simm.s32 $0x3E00;
	s7 =	simm.s32 $0x4;
	[dreg:$0x6] =	wrdreg s18  }
0x19: {  	[dreg:$0x7] =	wrdreg s9;
	s18 =	sadd.s32 s4, s24;
	s24 =	simm.s32 $0x100  }
.LBB2_1:
0x1a: {  	s9 =	rddreg [dreg:$0x4]  }
0x1b: {  	s14 =	rddreg [dreg:$0x5]  }
0x1c: {  	[tilespmem:s3], [sflag:$0x1] =	stream.linear.gather [hbm4b:s9+s3], $0x78, $0x38;
	[tilespmem:$0x1BA00] =	vst v63  }
0x1d: {  	s15 =	rddreg [dreg:$0x6]  }
0x1e: {  	[tilespmem:s23], [sflag:$0x1] =	stream.linear.gather [hbm4b:s14+s3], $0x78, $0x38;
	[tilespmem:$0x1BA00] =	vst v63  }
0x1f: {  	s10 =	rddreg [dreg:$0x7]  }
0x20: {  	[tilespmem:s24], [sflag:$0x2] =	stream.linear.gather [hbm4b:s15+s3], $0x78, $0x38;
	[tilespmem:$0x1BA00] =	vst v63  }
0x21: {  	s11 =	rddreg [dreg:$0x8]  }
0x22: {  	[tilespmem:s25], [sflag:$0x2] =	stream.linear.gather [hbm4b:s10+s3], $0x78, $0x38;
	[tilespmem:$0x1BA00] =	vst v63  }
0x23: {  	s9 =	sshrl.u32 s11, $0x3;
	s10 =	rddreg [dreg:$0x3]  }
0x24: {  	[spmem:s9], [sflag:s13] =	dma.local [hbm:s10], $0x2800  }
0x25: {  	_ =	swait.ge [sflag:s26], $0x2800  }
0x26: {  	[sflag:s26] =	ssyncset.done $0x0  }
0x27: {  	[sflag:s26] =	ssyncadd.s32 $0xFFFFD800  }
0x28: {  	[bflag:$0x0] =	sbarrier.arrive $0xFFFF  }
0x29: {  	_ =	swait.ge [sflag:s28], $0x78  }
0x2a: {  	[sflag:s28] =	ssyncset.done $0x0  }
0x2b: {  	[sflag:s28] =	ssyncadd.s32 $0xFFFFFF88  }
0x2c: {  	_ =	swait.ge [sflag:s28], $0x78  }
0x2d: {  	[sflag:s28] =	ssyncset.done $0x0  }
0x2e: {  	[sflag:s28] =	ssyncadd.s32 $0xFFFFFF88  }
0x2f: {  	[tilespmem:s30], [sflag:$0x3] =	stream.indirect.gather [hbm4b:s6+s29], $0x80, s3, s29, $0xb8;
	[tilespmem:$0x1BA00] =	vst v63  }
0x30: {  	_ =	swait.ge [sflag:s31], $0x78  }
0x31: {  	[sflag:s31] =	ssyncset.done $0x0  }
0x32: {  	[sflag:s31] =	ssyncadd.s32 $0xFFFFFF88  }
0x33: {  	_ =	swait.ge [sflag:s31], $0x78  }
0x34: {  	[sflag:s31] =	ssyncset.done $0x0  }
0x35: {  	[sflag:s31] =	ssyncadd.s32 $0xFFFFFF88  }
0x36: {  	[tilespmem:s0], [sflag:$0x4] =	stream.indirect.gather [hbm4b:s6+s29], $0x80, s24, s29, $0xb8;
	[tilespmem:$0x1BA00] =	vst v63  }
0x37: {  	_ =	swait.ge [sflag:s2], $0x3C00  }
0x38: {  	[sflag:s2] =	ssyncset.done $0x0  }
0x39: {  	[sflag:s2] =	ssyncadd.s32 $0xFFFFC400  }
0x3a: {  	[spmem:s1] =	stream.indirect.scatter.add.f32 [tilespmem:s30], [sflag:$0x5], $0x80, s23, s29, $0xb8;
	[tilespmem:$0x1BA00] =	vst v63  }
0x3b: {  	_ =	swait.ge [sflag:s26], $0x3C00  }
0x3c: {  	s12 =	sshrl.u32 s22, $0x3;
	[sflag:s26] =	ssyncset.done $0x0  }
0x3d: {  	s11 =	sadd.s32 s4, s12;
	[sflag:s26] =	ssyncadd.s32 $0xFFFFC400  }
0x3e: {  	[tilespmem:s3], [sflag:$0x1] =	stream.linear.gather [hbm4b:s11+s3], $0x78, $0x38;
	[tilespmem:$0x1BA00] =	vst v63  }
0x3f: {  	s10 =	sadd.s32 s5, s12  }
0x40: {  	[tilespmem:s23], [sflag:$0x1] =	stream.linear.gather [hbm4b:s10+s3], $0x78, $0x38;
	[tilespmem:$0x1BA00] =	vst v63  }
0x41: {  	_ =	swait.ge [sflag:s7], $0x3C00  }
0x42: {  	[sflag:s7] =	ssyncset.done $0x0  }
0x43: {  	[sflag:s7] =	ssyncadd.s32 $0xFFFFC400  }
0x44: {  	[spmem:s1] =	stream.indirect.scatter.add.f32 [tilespmem:s0], [sflag:$0x5], $0x80, s25, s29, $0xb8;
	[tilespmem:$0x1BA00] =	vst v63  }
0x45: {  	_ =	swait.ge [sflag:s26], $0x3C00  }
0x46: {  	[sflag:s26] =	ssyncset.done $0x0  }
0x47: {  	s14 =	sadd.s32 $0x0, s21;
	[sflag:s26] =	ssyncadd.s32 $0xFFFFC400  }
0x48: {  	[tilespmem:s24], [sflag:$0x2] =	stream.linear.gather [hbm4b:s14+s3], $0x78, $0x38;
	[tilespmem:$0x1BA00] =	vst v63  }
0x49: {  	s15 =	sadd.s32 $0x0, s20  }
0x4a: {  	[tilespmem:s25], [sflag:$0x2] =	stream.linear.gather [hbm4b:s15+s3], $0x78, $0x38;
	[tilespmem:$0x1BA00] =	vst v63  }
0x4b: {  	_ =	swait.ge [sflag:s28], $0x78  }
0x4c: {  	[sflag:s28] =	ssyncset.done $0x0  }
0x4d: {  	[sflag:s28] =	ssyncadd.s32 $0xFFFFFF88  }
0x4e: {  	_ =	swait.ge [sflag:s28], $0x78  }
0x4f: {  	[sflag:s28] =	ssyncset.done $0x0  }
0x50: {  	s11 =	sadd.s32 $0xF0, s22;
	s10 =	simm.s32 $0x1E;
	[sflag:s28] =	ssyncadd.s32 $0xFFFFFF88  }
.LBB2_2:
0x51: {  	[tilespmem:s30], [sflag:$0x3] =	stream.indirect.gather [hbm4b:s6+s29], $0x80, s3, s29, $0xb8;
	[tilespmem:$0x1BA00] =	vst v63  }
0x52: {  	s12 =	smov.u32 s10  }
0x53: {  	p0 =	sne.s32 s10, $0x4B0;
	s10 =	sadd.s32 $0x1E, s10;
	_ =	swait.ge [sflag:s31], $0x78  }
0x54: {  	[sflag:s31] =	ssyncset.done $0x0  }
0x55: {  	[sflag:s31] =	ssyncadd.s32 $0xFFFFFF88  }
0x56: {  	_ =	swait.ge [sflag:s31], $0x78  }
0x57: {  	[sflag:s31] =	ssyncset.done $0x0  }
0x58: {  	[sflag:s31] =	ssyncadd.s32 $0xFFFFFF88  }
0x59: {  	[tilespmem:s0], [sflag:$0x4] =	stream.indirect.gather [hbm4b:s6+s29], $0x80, s24, s29, $0xb8;
	[tilespmem:$0x1BA00] =	vst v63  }
0x5a: {  	_ =	swait.ge [sflag:s2], $0x3C00  }
0x5b: {  	[sflag:s2] =	ssyncset.done $0x0  }
0x5c: {  	[sflag:s2] =	ssyncadd.s32 $0xFFFFC400  }
0x5d: {  	[spmem:s1] =	stream.indirect.scatter.add.f32 [tilespmem:s30], [sflag:$0x5], $0x80, s23, s29, $0xb8;
	[tilespmem:$0x1BA00] =	vst v63  }
0x5e: {  	_ =	swait.ge [sflag:s26], $0x3C00  }
0x5f: {  	s14 =	sshrl.u32 s11, $0x3;
	[sflag:s26] =	ssyncset.done $0x0  }
0x60: {  	s15 =	sadd.s32 s4, s14;
	[sflag:s26] =	ssyncadd.s32 $0xFFFFC400  }
0x61: {  	[tilespmem:s3], [sflag:$0x1] =	stream.linear.gather [hbm4b:s15+s3], $0x78, $0x38;
	[tilespmem:$0x1BA00] =	vst v63  }
0x62: {  	s14 =	sadd.s32 s5, s14  }
0x63: {  	[tilespmem:s23], [sflag:$0x1] =	stream.linear.gather [hbm4b:s14+s3], $0x78, $0x38;
	[tilespmem:$0x1BA00] =	vst v63  }
0x64: {  	_ =	swait.ge [sflag:s7], $0x3C00  }
0x65: {  	[sflag:s7] =	ssyncset.done $0x0  }
0x66: {  	[sflag:s7] =	ssyncadd.s32 $0xFFFFC400  }
0x67: {  	[spmem:s1] =	stream.indirect.scatter.add.f32 [tilespmem:s0], [sflag:$0x5], $0x80, s25, s29, $0xb8;
	[tilespmem:$0x1BA00] =	vst v63  }
0x68: {  	_ =	swait.ge [sflag:s26], $0x3C00  }
0x69: {  	[sflag:s26] =	ssyncset.done $0x0  }
0x6a: {  	s14 =	sadd.s32 s12, s21;
	[sflag:s26] =	ssyncadd.s32 $0xFFFFC400  }
0x6b: {  	[tilespmem:s24], [sflag:$0x2] =	stream.linear.gather [hbm4b:s14+s3], $0x78, $0x38;
	[tilespmem:$0x1BA00] =	vst v63  }
0x6c: {  	s12 =	sadd.s32 s12, s20  }
0x6d: {  	[tilespmem:s25], [sflag:$0x2] =	stream.linear.gather [hbm4b:s12+s3], $0x78, $0x38;
	[tilespmem:$0x1BA00] =	vst v63  }
0x6e: {  	_ =	swait.ge [sflag:s28], $0x78  }
.Ltmp0:
0x6f: {  	[sflag:s28] =	ssyncset.done $0x0;
	(pc) =	sbr.rel @p0 .LBB2_2-.Ltmp0, $4  }
0x70: {  	[sflag:s28] =	ssyncadd.s32 $0xFFFFFF88  }
0x71: {  	_ =	swait.ge [sflag:s28], $0x78  }
0x72: {  	[sflag:s28] =	ssyncset.done $0x0  }
0x73: {  	s11 =	sadd.s32 $0xF0, s11;
	[sflag:s28] =	ssyncadd.s32 $0xFFFFFF88  }
0x74: {  	[tilespmem:s30], [sflag:$0x3] =	stream.indirect.gather [hbm4b:s6+s29], $0x80, s3, s29, $0xb8;
	[tilespmem:$0x1BA00] =	vst v63  }
0x75: {  	_ =	swait.ge [sflag:s31], $0x78  }
0x76: {  	[sflag:s31] =	ssyncset.done $0x0  }
0x77: {  	[sflag:s31] =	ssyncadd.s32 $0xFFFFFF88  }
0x78: {  	_ =	swait.ge [sflag:s31], $0x78  }
0x79: {  	[sflag:s31] =	ssyncset.done $0x0  }
0x7a: {  	[sflag:s31] =	ssyncadd.s32 $0xFFFFFF88  }
0x7b: {  	[tilespmem:s0], [sflag:$0x4] =	stream.indirect.gather [hbm4b:s6+s29], $0x80, s24, s29, $0xb8;
	[tilespmem:$0x1BA00] =	vst v63  }
0x7c: {  	_ =	swait.ge [sflag:s2], $0x3C00  }
0x7d: {  	[sflag:s2] =	ssyncset.done $0x0  }
0x7e: {  	[sflag:s2] =	ssyncadd.s32 $0xFFFFC400  }
0x7f: {  	[spmem:s1] =	stream.indirect.scatter.add.f32 [tilespmem:s30], [sflag:$0x5], $0x80, s23, s29, $0xb8;
	[tilespmem:$0x1BA00] =	vst v63  }
0x80: {  	_ =	swait.ge [sflag:s26], $0x3C00  }
0x81: {  	[sflag:s26] =	ssyncset.done $0x0  }
0x82: {  	[sflag:s26] =	ssyncadd.s32 $0xFFFFC400  }
0x83: {  	[tilespmem:s3], [sflag:$0x1] =	stream.linear.gather [hbm4b:s18+s3], $0x78, $0x38;
	[tilespmem:$0x1BA00] =	vst v63  }
0x84: {  	_ = 	snop  }
0x85: {  	[tilespmem:s23], [sflag:$0x1] =	stream.linear.gather [hbm4b:s19+s3], $0x78, $0x38;
	[tilespmem:$0x1BA00] =	vst v63  }
0x86: {  	_ =	swait.ge [sflag:s7], $0x3C00  }
0x87: {  	[sflag:s7] =	ssyncset.done $0x0  }
0x88: {  	[sflag:s7] =	ssyncadd.s32 $0xFFFFC400  }
0x89: {  	[spmem:s1] =	stream.indirect.scatter.add.f32 [tilespmem:s0], [sflag:$0x5], $0x80, s25, s29, $0xb8;
	[tilespmem:$0x1BA00] =	vst v63  }
0x8a: {  	_ =	swait.ge [sflag:s26], $0x3C00  }
0x8b: {  	[sflag:s26] =	ssyncset.done $0x0  }
0x8c: {  	[sflag:s26] =	ssyncadd.s32 $0xFFFFC400  }
0x8d: {  	[tilespmem:s24], [sflag:$0x2] =	stream.linear.gather [hbm4b:s16+s3], $0x78, $0x38;
	[tilespmem:$0x1BA00] =	vst v63  }
0x8e: {  	_ = 	snop  }
0x8f: {  	[tilespmem:s25], [sflag:$0x2] =	stream.linear.gather [hbm4b:s17+s3], $0x78, $0x38;
	[tilespmem:$0x1BA00] =	vst v63  }
0x90: {  	_ =	swait.ge [sflag:s28], $0x78  }
0x91: {  	[sflag:s28] =	ssyncset.done $0x0  }
0x92: {  	[sflag:s28] =	ssyncadd.s32 $0xFFFFFF88  }
0x93: {  	_ =	swait.ge [sflag:s28], $0x78  }
0x94: {  	[sflag:s28] =	ssyncset.done $0x0  }
0x95: {  	[sflag:s28] =	ssyncadd.s32 $0xFFFFFF88  }
0x96: {  	[tilespmem:s30], [sflag:$0x3] =	stream.indirect.gather [hbm4b:s6+s29], $0x80, s3, s29, $0xb8;
	[tilespmem:$0x1BA00] =	vst v63  }
0x97: {  	_ =	swait.ge [sflag:s31], $0x78  }
0x98: {  	[sflag:s31] =	ssyncset.done $0x0  }
0x99: {  	[sflag:s31] =	ssyncadd.s32 $0xFFFFFF88  }
0x9a: {  	_ =	swait.ge [sflag:s31], $0x78  }
0x9b: {  	[sflag:s31] =	ssyncset.done $0x0  }
0x9c: {  	[sflag:s31] =	ssyncadd.s32 $0xFFFFFF88  }
0x9d: {  	[tilespmem:s0], [sflag:$0x4] =	stream.indirect.gather [hbm4b:s6+s29], $0x80, s24, s29, $0xb8;
	[tilespmem:$0x1BA00] =	vst v63  }
0x9e: {  	_ =	swait.ge [sflag:s2], $0x3C00  }
0x9f: {  	[sflag:s2] =	ssyncset.done $0x0  }
0xa0: {  	[sflag:s2] =	ssyncadd.s32 $0xFFFFC400  }
0xa1: {  	[spmem:s1] =	stream.indirect.scatter.add.f32 [tilespmem:s30], [sflag:$0x5], $0x80, s23, s29, $0xb8;
	[tilespmem:$0x1BA00] =	vst v63  }
0xa2: {  	_ =	swait.ge [sflag:s26], $0x3C00  }
0xa3: {  	[sflag:s26] =	ssyncset.done $0x0  }
0xa4: {  	[sflag:s26] =	ssyncadd.s32 $0xFFFFC400  }
0xa5: {  	[tilespmem:s3], [sflag:$0x1] =	stream.linear.gather [hbm4b:s16+s3], $0x78, $0x38;
	[tilespmem:$0x1BA00] =	vst v63  }
0xa6: {  	_ = 	snop  }
0xa7: {  	[tilespmem:s23], [sflag:$0x1] =	stream.linear.gather [hbm4b:s17+s3], $0x78, $0x38;
	[tilespmem:$0x1BA00] =	vst v63  }
0xa8: {  	_ =	swait.ge [sflag:s7], $0x3C00  }
0xa9: {  	[sflag:s7] =	ssyncset.done $0x0  }
0xaa: {  	[sflag:s7] =	ssyncadd.s32 $0xFFFFC400  }
0xab: {  	[spmem:s1] =	stream.indirect.scatter.add.f32 [tilespmem:s0], [sflag:$0x5], $0x80, s25, s29, $0xb8;
	[tilespmem:$0x1BA00] =	vst v63  }
0xac: {  	_ =	swait.ge [sflag:s26], $0x3C00  }
0xad: {  	[sflag:s26] =	ssyncset.done $0x0  }
0xae: {  	[sflag:s26] =	ssyncadd.s32 $0xFFFFC400  }
0xaf: {  	[tilespmem:s24], [sflag:$0x2] =	stream.linear.gather [hbm4b:s16+s3], $0x78, $0x38;
	[tilespmem:$0x1BA00] =	vst v63  }
0xb0: {  	_ = 	snop  }
0xb1: {  	[tilespmem:s25], [sflag:$0x2] =	stream.linear.gather [hbm4b:s17+s3], $0x78, $0x38;
	[tilespmem:$0x1BA00] =	vst v63  }
0xb2: {  	_ =	swait.ge [sflag:s28], $0x78  }
0xb3: {  	[sflag:s28] =	ssyncset.done $0x0  }
0xb4: {  	[sflag:s28] =	ssyncadd.s32 $0xFFFFFF88  }
0xb5: {  	_ =	swait.ge [sflag:s28], $0x78  }
0xb6: {  	[sflag:s28] =	ssyncset.done $0x0  }
0xb7: {  	[sflag:s28] =	ssyncadd.s32 $0xFFFFFF88  }
0xb8: {  	[tilespmem:s30], [sflag:$0x3] =	stream.indirect.gather [hbm4b:s6+s29], $0x80, s3, s29, $0xb8;
	[tilespmem:$0x1BA00] =	vst v63  }
0xb9: {  	_ =	swait.ge [sflag:s2], $0x3C00  }
0xba: {  	[sflag:s2] =	ssyncset.done $0x0  }
0xbb: {  	[sflag:s2] =	ssyncadd.s32 $0xFFFFC400  }
0xbc: {  	_ =	swait.ge [sflag:s31], $0x78  }
0xbd: {  	[sflag:s31] =	ssyncset.done $0x0  }
0xbe: {  	[sflag:s31] =	ssyncadd.s32 $0xFFFFFF88  }
0xbf: {  	_ =	swait.ge [sflag:s31], $0x78  }
0xc0: {  	[sflag:s31] =	ssyncset.done $0x0  }
0xc1: {  	[sflag:s31] =	ssyncadd.s32 $0xFFFFFF88  }
0xc2: {  	[bflag:$0x0] =	sbarrier.arrive $0xFFFF  }
0xc3: {  	s10 =	rddreg [dreg:$0x9]  }
0xc4: {  	[hbm:s10], [sflag:s13] =	dma.local [spmem:s9], $0x2800  }
0xc5: {  	_ =	swait.ge [sflag:s26], $0x2800  }
0xc6: {  	s8 =	sadd.s32 $0x1, s8;
	s15 =	rddreg [dreg:$0xa]  }
0xc7: {  	p0 =	sne.s32 s8, s15  }
.Ltmp1:
0xc8: {  	_ = 	snop;
	(pc) =	sbr.rel @p0 .LBB2_1-.Ltmp1, $3  }
0xc9: {  	_ =	sdelay $0x1  }
0xca: {  	[sflag:s26] =	ssyncset.done $0x0  }
0xcb: {  	[sflag:s26] =	ssyncadd.s32 $0xFFFFD800  }
0xcc: {  	_ =	sfence.sel $0x180000  }
0xcd: {  	[bflag:$0x0] =	sbarrier.arrive $0xFFFF  }
0xce: {  	_ =	strace $0x9000004D  }
0xcf: {  	s0 =	stileid.u32;
	[bflag:$0x2] =	sbarrier.arrive $0xFFFF  }
0xd0: {  	p0 =	sne.s32 s0, $0x0;
	s0 =	rddreg [dreg:$0x2]  }
0xd1: {  	s0 =	sadd.s32 @!p0 $0x100000, s0  }
0xd2: {  	[sflag:s0] =	ssyncadd.tile.s32 @!p0 $0x1;
	_ =	shalt  }
.Lfunc_end2:
_tile_overlayer_lowered:
.L_overlay_start_2:
0xd3: {  	(tag) =	ssettag $0x2  }
0xd4: {  	s0 =	rddreg [dreg:$0x0];
	s2 =	stileid.u32  }
0xd5: {  	s1 =	rddreg [dreg:$0x1];
	p0 =	sne.s32 s2, $0x0  }
0xd6: {  	s3 =	rddreg [dreg:$0x2];
	[bflag:$0x3] =	sbarrier.arrive $0xFFFF;
	s2 =	simm.s32 @!p0 $0x1C05  }
0xd7: {  	[timem:s3], [sflag:s2] =	dma.local @!p0 [hbm:s0], s1  }
0xd8: {  	s0 =	simm.s32 @!p0 $0x5  }
0xd9: {  	_ =	swait.ge @!p0 [sflag:s0], s1  }
0xda: {  	s1 =	ssub.s32 @!p0 $0x0, s1;
	[sflag:s0] =	ssyncset.done @!p0 $0x0  }
0xdb: {  	[sflag:s0] =	ssyncadd.s32 @!p0 s1  }
0xdc: {  	[bflag:$0x3] =	sbarrier.arrive $0xFFFF  }
0xdd: {  	_ =	shalt  }

</sc_bundles>
